<compile_context>
chip_gen: v7x
topology: tpu7x:2x2x1
jax: 0.10.2.dev20260603
libtpu: 0.0.44.dev20260713+nightly
codegen_flags: <defaults>
</compile_context>

<pallas_src>
import functools
from math import factorial

import jax
import jax.numpy as jnp
import numpy as np
from jax import lax
from jax.experimental import pallas as pl
from jax.experimental.pallas import tpu as pltpu
from jax.experimental.pallas import tpu_sc as plsc

N_NODES = 10000
N_EDGES = 320000
F = 128
N_BASIS = 8
HIDDEN = 64
AVG_NEIGH = 32.0


def _poly_env_coeffs(n0, n1):
    ncoef = n0 + n1 + 2
    A = np.zeros((ncoef, ncoef))
    b = np.zeros(ncoef)
    row = 0
    for k in range(n0 + 1):
        A[row, k] = float(factorial(k))
        b[row] = 1.0 if k == 0 else 0.0
        row += 1
    for k in range(n1 + 1):
        for j in range(k, ncoef):
            A[row, j] = float(factorial(j)) / float(factorial(j - k))
        b[row] = 0.0
        row += 1
    return np.linalg.solve(A, b)

_ENV_HORNER = tuple(float(c) for c in _poly_env_coeffs(5, 2)[::-1])

_z = np.random.RandomState(0).randn(1000000)
_ACT_NORM = float(1.0 / np.sqrt(np.mean((_z / (1.0 + np.exp(-_z))) ** 2)))

_SQRT3 = float(np.sqrt(3.0))
_SQRT2 = float(np.sqrt(2.0))
_PI = float(np.pi)
_INV_SQRT_NEIGH = float(1.0 / np.sqrt(AVG_NEIGH))


_BE = 1280


def _coef_body(v_ref, w1_ref, w2_ref, w3_ref, out_ref):
    v = v_ref[...]
    len2 = jnp.sum(v * v, axis=1, keepdims=True)
    length = jnp.sqrt(len2)
    safe = jnp.where(length == 0.0, 1.0, length)
    sh = (_SQRT3 / safe) * v

    n = lax.broadcasted_iota(jnp.int32, (_BE, N_BASIS), 1).astype(jnp.float32) + 1.0
    xnz = jnp.where(length == 0.0, 1.0, length)
    basis = _SQRT2 * jnp.where(
        length == 0.0, n * _PI, jnp.sin(n * (_PI * length)) / xnz
    )

    p = jnp.full_like(length, _ENV_HORNER[0])
    for cfl in _ENV_HORNER[1:]:
        p = p * length + cfl
    cutoff = jnp.where(length < 1.0, p, 0.0)

    radial = basis * cutoff

    def _swish(x):
        return _ACT_NORM * x / (1.0 + jnp.exp(-x))

    h = _swish(jnp.dot(radial, w1_ref[...], preferred_element_type=jnp.float32))
    h = _swish(jnp.dot(h, w2_ref[...], preferred_element_type=jnp.float32))
    mix = jnp.dot(h, w3_ref[...], preferred_element_type=jnp.float32)
    mix = mix * _INV_SQRT_NEIGH

    out_ref[0] = mix[:, :F]
    for k in range(3):
        out_ref[k + 1] = mix[:, F:] * sh[:, k : k + 1]


def _coef_pallas(vectors, W1s, W2s, W3s):
    grid = N_EDGES // _BE
    return pl.pallas_call(
        _coef_body,
        grid=(grid,),
        in_specs=[
            pl.BlockSpec((_BE, 3), lambda i: (i, 0)),
            pl.BlockSpec((N_BASIS, HIDDEN), lambda i: (0, 0)),
            pl.BlockSpec((HIDDEN, HIDDEN), lambda i: (0, 0)),
            pl.BlockSpec((HIDDEN, 2 * F), lambda i: (0, 0)),
        ],
        out_specs=pl.BlockSpec((4, _BE, F), lambda i: (0, i, 0)),
        out_shape=jax.ShapeDtypeStruct((4, N_EDGES, F), jnp.float32),
    )(vectors, W1s, W2s, W3s)



_NC = 2
_NS = 16
_C = 80
_EDGES_PER_TILE = N_EDGES // _NS
_NCHUNK = _EDGES_PER_TILE // _C
_NP = 10240
_ROWS_PER_TILE = _NP // _NS


def _sc_body(nf_hbm, send_hbm, recv_hbm, coef_hbm, zeros_hbm, out_hbm,
             s_v, r_v, nf_v, cf_v, msg_v, acc_sh, sem):
    c = lax.axis_index("c")
    s = lax.axis_index("s")
    row0 = s * _ROWS_PER_TILE

    for p in range(2):
        q = 2 * p + c

        pltpu.sync_copy(zeros_hbm, acc_sh.at[pl.ds(row0, _ROWS_PER_TILE)])
        plsc.subcore_barrier()

        def _edge_batch(j, carry):
            e0 = s * _EDGES_PER_TILE + j * _C
            pltpu.sync_copy(send_hbm.at[pl.ds(e0, _C)], s_v)
            pltpu.sync_copy(recv_hbm.at[pl.ds(e0, _C)], r_v)
            pltpu.sync_copy(coef_hbm.at[pl.ds(q * N_EDGES + e0, _C)], cf_v)
            pltpu.async_copy(nf_hbm.at[s_v], nf_v, sem).wait()

            def _mul_row(i, c2):
                for r8 in range(F // 16):
                    sl = pl.ds(r8 * 16, 16)
                    msg_v[i, sl] = nf_v[i, sl] * cf_v[i, sl]
                return c2

            lax.fori_loop(0, _C, _mul_row, 0)
            pltpu.sync_copy(msg_v, acc_sh.at[r_v], add=True)
            return carry

        lax.fori_loop(0, _NCHUNK, _edge_batch, 0)
        plsc.subcore_barrier()

        pltpu.sync_copy(
            acc_sh.at[pl.ds(row0, _ROWS_PER_TILE)],
            out_hbm.at[pl.ds(q * _NP + row0, _ROWS_PER_TILE)],
        )
        if p == 0:
            plsc.subcore_barrier()


@functools.cache
def _get_sc_kernel():
    return functools.partial(
        pl.kernel,
        mesh=plsc.VectorSubcoreMesh(core_axis_name="c", subcore_axis_name="s"),
        out_type=jax.ShapeDtypeStruct((4 * _NP, F), jnp.float32),
        scratch_types=[
            pltpu.VMEM((_C,), jnp.int32),
            pltpu.VMEM((_C,), jnp.int32),
            pltpu.VMEM((_C, F), jnp.float32),
            pltpu.VMEM((_C, F), jnp.float32),
            pltpu.VMEM((_C, F), jnp.float32),
            pltpu.VMEM_SHARED((_NP, F), jnp.float32),
            pltpu.SemaphoreType.DMA,
        ],
    )(_sc_body)


def kernel(vectors, node_feats, senders, receivers, W1, W2, W3):
    W1s = W1 / jnp.sqrt(float(W1.shape[0]))
    W2s = W2 / jnp.sqrt(float(W2.shape[0]))
    W3s = W3 / jnp.sqrt(float(W3.shape[0]))

    coef = _coef_pallas(vectors, W1s, W2s, W3s)
    coef2 = coef.reshape(4 * N_EDGES, F)

    zeros = jnp.zeros((_ROWS_PER_TILE, F), jnp.float32)
    acc = _get_sc_kernel()(
        node_feats,
        senders.astype(jnp.int32),
        receivers.astype(jnp.int32),
        coef2,
        zeros,
    )

    acc = acc.reshape(4, _NP, F)[:, :N_NODES]
    out_s = acc[0]
    out_v = jnp.transpose(acc[1:], (1, 2, 0)).reshape(N_NODES, 3 * F)
    return jnp.concatenate([out_s, out_v], axis=1)

# --- scband reference (transcript-rebuilt; emitter-appended) ---
"""Pipeline reference for scband-message-passing-convolution-63934883168899 (READ-ONLY COPY).

The authoritative reference and input builder live on the scoring server;
editing this copy changes nothing except your own understanding.
"""

import jax, jax.numpy as jnp
import numpy as np
from math import factorial

N_NODES = 10000
N_EDGES = 320000
F = 128
N_BASIS = 8
HIDDEN = 64
AVG_NEIGH = 32.0


def _poly_env_coeffs(n0, n1):
    # polynomial with f(0)=1, first n0 derivatives zero at x=0,
    # f(1)=0, first n1 derivatives zero at x=1 (e3nn.poly_envelope)
    ncoef = n0 + n1 + 2
    A = np.zeros((ncoef, ncoef))
    b = np.zeros(ncoef)
    row = 0
    for k in range(n0 + 1):
        A[row, k] = float(factorial(k))
        b[row] = 1.0 if k == 0 else 0.0
        row += 1
    for k in range(n1 + 1):
        for j in range(k, ncoef):
            A[row, j] = float(factorial(j)) / float(factorial(j - k))
        b[row] = 0.0
        row += 1
    return np.linalg.solve(A, b)

_ENV = jnp.asarray(_poly_env_coeffs(5, 2)[::-1].copy(), dtype=jnp.float32)

_z = np.random.RandomState(0).randn(1000000)
_ACT_NORM = float(1.0 / np.sqrt(np.mean((_z / (1.0 + np.exp(-_z))) ** 2)))


def _norm_swish(x):
    return _ACT_NORM * jax.nn.swish(x)


def _bessel(x, n_basis, x_max=1.0):
    x = x[:, None]
    n = jnp.arange(1, n_basis + 1, dtype=jnp.float32)
    x_nz = jnp.where(x == 0.0, 1.0, x)
    return jnp.sqrt(2.0 / x_max) * jnp.where(
        x == 0.0, n * jnp.pi / x_max, jnp.sin(n * jnp.pi * x_nz / x_max) / x_nz
    )


def _envelope(x):
    return jnp.where(x < 1.0, jnp.polyval(_ENV, x), 0.0)


def _mlp(x, W1, W2, W3):
    h = _norm_swish(x @ (W1 / jnp.sqrt(float(W1.shape[0]))))
    h = _norm_swish(h @ (W2 / jnp.sqrt(float(W2.shape[0]))))
    return h @ (W3 / jnp.sqrt(float(W3.shape[0])))


def setup_inputs(seed: int = 0) -> dict:
    key = jax.random.key(seed)
    ks = jax.random.split(key, 7)
    vectors = 0.25 * jax.random.normal(ks[0], (N_EDGES, 3), dtype=jnp.float32)
    node_feats = jax.random.normal(ks[1], (N_NODES, F), dtype=jnp.float32)
    senders = jax.random.randint(ks[2], (N_EDGES,), 0, N_NODES)
    receivers = jax.random.randint(ks[3], (N_EDGES,), 0, N_NODES)
    W1 = jax.random.normal(ks[4], (N_BASIS, HIDDEN), dtype=jnp.float32)
    W2 = jax.random.normal(ks[5], (HIDDEN, HIDDEN), dtype=jnp.float32)
    W3 = jax.random.normal(ks[6], (HIDDEN, 2 * F), dtype=jnp.float32)
    return {
        "vectors": vectors,
        "node_feats": node_feats,
        "senders": senders,
        "receivers": receivers,
        "W1": W1,
        "W2": W2,
        "W3": W3,
    }


def reference(vectors, node_feats, senders, receivers, W1, W2, W3):
    n_nodes = node_feats.shape[0]
    lengths = jnp.linalg.norm(vectors, axis=-1, keepdims=True)  # [E,1]
    lengths_safe = jnp.where(lengths == 0.0, 1.0, lengths)
    # gather sender features (128x0e scalars)
    msg_s = node_feats[senders]  # [E,F]
    # spherical harmonics l=1, component normalization: sqrt(3)*unit_vector
    sh1 = jnp.sqrt(3.0) * (vectors / lengths_safe)  # [E,3]
    # tensor product 128x0e (x) 1x1o -> 128x1o
    msg_v = msg_s[:, :, None] * sh1[:, None, :]  # [E,F,3]
    # radial embedding
    basis = _bessel(lengths[:, 0], N_BASIS)  # [E,8]
    cutoff = _envelope(lengths)  # [E,1]
    radial = basis * cutoff  # [E,8]
    # per-irrep mixing weights from radial MLP (num_irreps = 2F)
    mix = _mlp(radial, W1, W2, W3)  # [E,2F]
    msg_s = msg_s * mix[:, :F]
    msg_v = msg_v * mix[:, F:, None]
    # scatter-add messages to receiver nodes
    agg_s = jnp.zeros((n_nodes, F), msg_s.dtype).at[receivers].add(msg_s)
    agg_v = jnp.zeros((n_nodes, F, 3), msg_v.dtype).at[receivers].add(msg_v)
    out = jnp.concatenate([agg_s, agg_v.reshape(n_nodes, 3 * F)], axis=1)
    return out / jnp.sqrt(AVG_NEIGH)

if __name__ == "__main__":
    import jax
    _d = setup_inputs()
    print(jax.jit(kernel)(*tuple(_d.values())))

</pallas_src>

<mosaic_0001>
#map = affine_map<(d0, d1) -> (0, 0)>
#map1 = affine_map<(d0, d1) -> (0)>
module attributes {stable_mosaic.version = 14 : i64} {
  func.func @_sc_body(%arg0: i32, %arg1: i32, %arg2: memref<10000x128xf32, #tpu.memory_space<hbm>>, %arg3: memref<320000xi32, #tpu.memory_space<hbm>>, %arg4: memref<320000xi32, #tpu.memory_space<hbm>>, %arg5: memref<1280000x128xf32, #tpu.memory_space<hbm>>, %arg6: memref<640x128xf32, #tpu.memory_space<hbm>>, %arg7: memref<40960x128xf32, #tpu.memory_space<hbm>>, %arg8: memref<80xi32, #tpu.memory_space<vmem>>, %arg9: memref<80xi32, #tpu.memory_space<vmem>>, %arg10: memref<80x128xf32, #tpu.memory_space<vmem>>, %arg11: memref<80x128xf32, #tpu.memory_space<vmem>>, %arg12: memref<80x128xf32, #tpu.memory_space<vmem>>, %arg13: memref<10240x128xf32, #tpu.memory_space<vmem_shared>>, %arg14: memref<!tpu.dma_semaphore, #tpu.memory_space<semaphore_mem>>) attributes {dimension_semantics = [#tpu.dimension_semantics<core_parallel>, #tpu.dimension_semantics<subcore_parallel>], iteration_bounds = array<i64: 2, 16>, scalar_prefetch = 0 : i64, scratch_operands = 7 : i64, tpu.core_type = #tpu.core_type<sc_vector_subcore>, window_params = [{transform_indices = #map}, {transform_indices = #map1}, {transform_indices = #map1}, {transform_indices = #map}, {transform_indices = #map}, {transform_indices = #map}]} {
    %mul3A = arith.constant 640 : i32
    %mul3A_0 = arith.muli %arg1, %mul3A : i32
    %add3A = arith.constant 0 : i32
    %add3A_1 = arith.addi %add3A, %arg0 : i32
    "tpu.region"() ({
      %run_scoped3A = tpu.sem_alloc : memref<!tpu.dma_semaphore, #tpu.memory_space<semaphore_mem>>
      %dma_start3A = arith.constant 0 : i32
      %dma_start3A_25 = tpu.memref_slice %arg13[%mul3A_0, %dma_start3A] : memref<10240x128xf32, #tpu.memory_space<vmem_shared>> -> memref<640x128xf32, #tpu.memory_space<vmem_shared>>
      tpu.enqueue_dma source(%arg6 : memref<640x128xf32, #tpu.memory_space<hbm>>) target(%dma_start3A_25 : memref<640x128xf32, #tpu.memory_space<vmem_shared>>) target_semaphore(%run_scoped3A : memref<!tpu.dma_semaphore, #tpu.memory_space<semaphore_mem>>)
      %dma_wait3A = arith.constant 0 : i32
      %dma_wait3A_26 = tpu.memref_slice %arg13[%mul3A_0, %dma_wait3A] : memref<10240x128xf32, #tpu.memory_space<vmem_shared>> -> memref<640x128xf32, #tpu.memory_space<vmem_shared>>
      tpu.wait_dma2 semaphore(%run_scoped3A : memref<!tpu.dma_semaphore, #tpu.memory_space<semaphore_mem>>) src(%arg6 : memref<640x128xf32, #tpu.memory_space<hbm>>) dst(%dma_wait3A_26 : memref<640x128xf32, #tpu.memory_space<vmem_shared>>)
      tpu.yield
    }) : () -> ()
    %barrier3A = arith.constant 0 : index
    tpu.barrier barrier_id(%barrier3A)
    %scan3A = arith.constant 0 : i32
    %scan3A_2 = arith.constant 0 : i32
    %scan3A_3 = arith.constant 250 : i32
    %scan3A_4 = arith.addi %scan3A_2, %scan3A_3 : i32
    %scan3A_5 = arith.constant 1 : i32
    scf.for %scan3A_25 = %scan3A_2 to %scan3A_4 step %scan3A_5  : i32 {
      %mul3A_26 = arith.constant 20000 : i32
      %mul3A_27 = arith.muli %arg1, %mul3A_26 : i32
      %mul3A_28 = arith.constant 80 : i32
      %mul3A_29 = arith.muli %scan3A_25, %mul3A_28 : i32
      %add3A_30 = arith.addi %mul3A_27, %mul3A_29 : i32
      "tpu.region"() ({
        %run_scoped3A = tpu.sem_alloc : memref<!tpu.dma_semaphore, #tpu.memory_space<semaphore_mem>>
        %dma_start3A_44 = tpu.memref_slice %arg3[%add3A_30] : memref<320000xi32, #tpu.memory_space<hbm>> -> memref<80xi32, #tpu.memory_space<hbm>>
        %dma_start3A_45 = tpu.memref_slice %arg3[%add3A_30] : memref<320000xi32, #tpu.memory_space<hbm>> -> memref<80xi32, #tpu.memory_space<hbm>>
        tpu.enqueue_dma source(%dma_start3A_45 : memref<80xi32, #tpu.memory_space<hbm>>) target(%arg8 : memref<80xi32, #tpu.memory_space<vmem>>) target_semaphore(%run_scoped3A : memref<!tpu.dma_semaphore, #tpu.memory_space<semaphore_mem>>)
        %dma_wait3A_46 = tpu.memref_slice %arg3[%add3A_30] : memref<320000xi32, #tpu.memory_space<hbm>> -> memref<80xi32, #tpu.memory_space<hbm>>
        %dma_wait3A_47 = tpu.memref_slice %arg3[%add3A_30] : memref<320000xi32, #tpu.memory_space<hbm>> -> memref<80xi32, #tpu.memory_space<hbm>>
        tpu.wait_dma2 semaphore(%run_scoped3A : memref<!tpu.dma_semaphore, #tpu.memory_space<semaphore_mem>>) src(%dma_wait3A_47 : memref<80xi32, #tpu.memory_space<hbm>>) dst(%arg8 : memref<80xi32, #tpu.memory_space<vmem>>)
        tpu.yield
      }) : () -> ()
      "tpu.region"() ({
        %run_scoped3A = tpu.sem_alloc : memref<!tpu.dma_semaphore, #tpu.memory_space<semaphore_mem>>
        %dma_start3A_44 = tpu.memref_slice %arg4[%add3A_30] : memref<320000xi32, #tpu.memory_space<hbm>> -> memref<80xi32, #tpu.memory_space<hbm>>
        %dma_start3A_45 = tpu.memref_slice %arg4[%add3A_30] : memref<320000xi32, #tpu.memory_space<hbm>> -> memref<80xi32, #tpu.memory_space<hbm>>
        tpu.enqueue_dma source(%dma_start3A_45 : memref<80xi32, #tpu.memory_space<hbm>>) target(%arg9 : memref<80xi32, #tpu.memory_space<vmem>>) target_semaphore(%run_scoped3A : memref<!tpu.dma_semaphore, #tpu.memory_space<semaphore_mem>>)
        %dma_wait3A_46 = tpu.memref_slice %arg4[%add3A_30] : memref<320000xi32, #tpu.memory_space<hbm>> -> memref<80xi32, #tpu.memory_space<hbm>>
        %dma_wait3A_47 = tpu.memref_slice %arg4[%add3A_30] : memref<320000xi32, #tpu.memory_space<hbm>> -> memref<80xi32, #tpu.memory_space<hbm>>
        tpu.wait_dma2 semaphore(%run_scoped3A : memref<!tpu.dma_semaphore, #tpu.memory_space<semaphore_mem>>) src(%dma_wait3A_47 : memref<80xi32, #tpu.memory_space<hbm>>) dst(%arg9 : memref<80xi32, #tpu.memory_space<vmem>>)
        tpu.yield
      }) : () -> ()
      %mul3A_31 = arith.constant 320000 : i32
      %mul3A_32 = arith.muli %add3A_1, %mul3A_31 : i32
      %add3A_33 = arith.addi %mul3A_32, %add3A_30 : i32
      "tpu.region"() ({
        %run_scoped3A = tpu.sem_alloc : memref<!tpu.dma_semaphore, #tpu.memory_space<semaphore_mem>>
        %dma_start3A_44 = arith.constant 0 : i32
        %dma_start3A_45 = tpu.memref_slice %arg5[%add3A_33, %dma_start3A_44] : memref<1280000x128xf32, #tpu.memory_space<hbm>> -> memref<80x128xf32, #tpu.memory_space<hbm>>
        %dma_start3A_46 = arith.constant 0 : i32
        %dma_start3A_47 = tpu.memref_slice %arg5[%add3A_33, %dma_start3A_46] : memref<1280000x128xf32, #tpu.memory_space<hbm>> -> memref<80x128xf32, #tpu.memory_space<hbm>>
        tpu.enqueue_dma source(%dma_start3A_47 : memref<80x128xf32, #tpu.memory_space<hbm>>) target(%arg11 : memref<80x128xf32, #tpu.memory_space<vmem>>) target_semaphore(%run_scoped3A : memref<!tpu.dma_semaphore, #tpu.memory_space<semaphore_mem>>)
        %dma_wait3A_48 = arith.constant 0 : i32
        %dma_wait3A_49 = tpu.memref_slice %arg5[%add3A_33, %dma_wait3A_48] : memref<1280000x128xf32, #tpu.memory_space<hbm>> -> memref<80x128xf32, #tpu.memory_space<hbm>>
        %dma_wait3A_50 = arith.constant 0 : i32
        %dma_wait3A_51 = tpu.memref_slice %arg5[%add3A_33, %dma_wait3A_50] : memref<1280000x128xf32, #tpu.memory_space<hbm>> -> memref<80x128xf32, #tpu.memory_space<hbm>>
        tpu.wait_dma2 semaphore(%run_scoped3A : memref<!tpu.dma_semaphore, #tpu.memory_space<semaphore_mem>>) src(%dma_wait3A_51 : memref<80x128xf32, #tpu.memory_space<hbm>>) dst(%arg11 : memref<80x128xf32, #tpu.memory_space<vmem>>)
        tpu.yield
      }) : () -> ()
      %dma_start3A = arith.constant 0 : i32
      %dma_start3A_34 = arith.constant 0 : i32
      %dma_start3A_35 = tpu.memref_slice %arg2[%dma_start3A, %dma_start3A_34] : memref<10000x128xf32, #tpu.memory_space<hbm>> -> memref<10000x128xf32, #tpu.memory_space<hbm>>
      tpu.enqueue_indirect_dma source(%dma_start3A_35 : memref<10000x128xf32, #tpu.memory_space<hbm>>) target(%arg10 : memref<80x128xf32, #tpu.memory_space<vmem>>) offsets(%arg8 : memref<80xi32, #tpu.memory_space<vmem>>) semaphore(%arg14 : memref<!tpu.dma_semaphore, #tpu.memory_space<semaphore_mem>>)
      %dma_wait3A = arith.constant 0 : i32
      %dma_wait3A_36 = arith.constant 0 : i32
      %dma_wait3A_37 = tpu.memref_slice %arg2[%dma_wait3A, %dma_wait3A_36] : memref<10000x128xf32, #tpu.memory_space<hbm>> -> memref<10000x128xf32, #tpu.memory_space<hbm>>
      tpu.wait_indirect_dma semaphore(%arg14 : memref<!tpu.dma_semaphore, #tpu.memory_space<semaphore_mem>>) src(%dma_wait3A_37 : memref<10000x128xf32, #tpu.memory_space<hbm>>) dst(%arg10 : memref<80x128xf32, #tpu.memory_space<vmem>>)
      %scan3A_38 = arith.constant 0 : i32
      %scan3A_39 = arith.constant 0 : i32
      %scan3A_40 = arith.constant 80 : i32
      %scan3A_41 = arith.addi %scan3A_39, %scan3A_40 : i32
      %scan3A_42 = arith.constant 1 : i32
      scf.for %scan3A_44 = %scan3A_39 to %scan3A_41 step %scan3A_42  : i32 {
        %get3A = arith.index_cast %scan3A_44 : i32 to index
        %get3A_45 = arith.constant 0 : index
        %get3A_46 = tpu.vector_load %arg10[%get3A, %get3A_45] {strides = array<i32>} : memref<80x128xf32, #tpu.memory_space<vmem>>, vector<1x16xf32>,
        %get3A_47 = vector.shape_cast %get3A_46 : vector<1x16xf32> to vector<16xf32>
        %get3A_48 = arith.index_cast %scan3A_44 : i32 to index
        %get3A_49 = arith.constant 0 : index
        %get3A_50 = tpu.vector_load %arg11[%get3A_48, %get3A_49] {strides = array<i32>} : memref<80x128xf32, #tpu.memory_space<vmem>>, vector<1x16xf32>,
        %get3A_51 = vector.shape_cast %get3A_50 : vector<1x16xf32> to vector<16xf32>
        %mul3A_52 = arith.mulf %get3A_47, %get3A_51 : vector<16xf32>
        %swap3A = arith.index_cast %scan3A_44 : i32 to index
        %swap3A_53 = arith.constant 0 : index
        %swap3A_54 = tpu.vector_load %arg12[%swap3A, %swap3A_53] {strides = array<i32>} : memref<80x128xf32, #tpu.memory_space<vmem>>, vector<1x16xf32>,
        %swap3A_55 = vector.shape_cast %swap3A_54 : vector<1x16xf32> to vector<16xf32>
        %swap3A_56 = vector.shape_cast %mul3A_52 : vector<16xf32> to vector<1x16xf32>
        tpu.vector_store %arg12[%swap3A, %swap3A_53], %swap3A_56 {strides = array<i32>} : memref<80x128xf32, #tpu.memory_space<vmem>>, vector<1x16xf32>,
        %get3A_57 = arith.index_cast %scan3A_44 : i32 to index
        %get3A_58 = arith.constant 16 : index
        %get3A_59 = tpu.vector_load %arg10[%get3A_57, %get3A_58] {strides = array<i32>} : memref<80x128xf32, #tpu.memory_space<vmem>>, vector<1x16xf32>,
        %get3A_60 = vector.shape_cast %get3A_59 : vector<1x16xf32> to vector<16xf32>
        %get3A_61 = arith.index_cast %scan3A_44 : i32 to index
        %get3A_62 = arith.constant 16 : index
        %get3A_63 = tpu.vector_load %arg11[%get3A_61, %get3A_62] {strides = array<i32>} : memref<80x128xf32, #tpu.memory_space<vmem>>, vector<1x16xf32>,
        %get3A_64 = vector.shape_cast %get3A_63 : vector<1x16xf32> to vector<16xf32>
        %mul3A_65 = arith.mulf %get3A_60, %get3A_64 : vector<16xf32>
        %swap3A_66 = arith.index_cast %scan3A_44 : i32 to index
        %swap3A_67 = arith.constant 16 : index
        %swap3A_68 = tpu.vector_load %arg12[%swap3A_66, %swap3A_67] {strides = array<i32>} : memref<80x128xf32, #tpu.memory_space<vmem>>, vector<1x16xf32>,
        %swap3A_69 = vector.shape_cast %swap3A_68 : vector<1x16xf32> to vector<16xf32>
        %swap3A_70 = vector.shape_cast %mul3A_65 : vector<16xf32> to vector<1x16xf32>
        tpu.vector_store %arg12[%swap3A_66, %swap3A_67], %swap3A_70 {strides = array<i32>} : memref<80x128xf32, #tpu.memory_space<vmem>>, vector<1x16xf32>,
        %get3A_71 = arith.index_cast %scan3A_44 : i32 to index
        %get3A_72 = arith.constant 32 : index
        %get3A_73 = tpu.vector_load %arg10[%get3A_71, %get3A_72] {strides = array<i32>} : memref<80x128xf32, #tpu.memory_space<vmem>>, vector<1x16xf32>,
        %get3A_74 = vector.shape_cast %get3A_73 : vector<1x16xf32> to vector<16xf32>
        %get3A_75 = arith.index_cast %scan3A_44 : i32 to index
        %get3A_76 = arith.constant 32 : index
        %get3A_77 = tpu.vector_load %arg11[%get3A_75, %get3A_76] {strides = array<i32>} : memref<80x128xf32, #tpu.memory_space<vmem>>, vector<1x16xf32>,
        %get3A_78 = vector.shape_cast %get3A_77 : vector<1x16xf32> to vector<16xf32>
        %mul3A_79 = arith.mulf %get3A_74, %get3A_78 : vector<16xf32>
        %swap3A_80 = arith.index_cast %scan3A_44 : i32 to index
        %swap3A_81 = arith.constant 32 : index
        %swap3A_82 = tpu.vector_load %arg12[%swap3A_80, %swap3A_81] {strides = array<i32>} : memref<80x128xf32, #tpu.memory_space<vmem>>, vector<1x16xf32>,
        %swap3A_83 = vector.shape_cast %swap3A_82 : vector<1x16xf32> to vector<16xf32>
        %swap3A_84 = vector.shape_cast %mul3A_79 : vector<16xf32> to vector<1x16xf32>
        tpu.vector_store %arg12[%swap3A_80, %swap3A_81], %swap3A_84 {strides = array<i32>} : memref<80x128xf32, #tpu.memory_space<vmem>>, vector<1x16xf32>,
        %get3A_85 = arith.index_cast %scan3A_44 : i32 to index
        %get3A_86 = arith.constant 48 : index
        %get3A_87 = tpu.vector_load %arg10[%get3A_85, %get3A_86] {strides = array<i32>} : memref<80x128xf32, #tpu.memory_space<vmem>>, vector<1x16xf32>,
        %get3A_88 = vector.shape_cast %get3A_87 : vector<1x16xf32> to vector<16xf32>
        %get3A_89 = arith.index_cast %scan3A_44 : i32 to index
        %get3A_90 = arith.constant 48 : index
        %get3A_91 = tpu.vector_load %arg11[%get3A_89, %get3A_90] {strides = array<i32>} : memref<80x128xf32, #tpu.memory_space<vmem>>, vector<1x16xf32>,
        %get3A_92 = vector.shape_cast %get3A_91 : vector<1x16xf32> to vector<16xf32>
        %mul3A_93 = arith.mulf %get3A_88, %get3A_92 : vector<16xf32>
        %swap3A_94 = arith.index_cast %scan3A_44 : i32 to index
        %swap3A_95 = arith.constant 48 : index
        %swap3A_96 = tpu.vector_load %arg12[%swap3A_94, %swap3A_95] {strides = array<i32>} : memref<80x128xf32, #tpu.memory_space<vmem>>, vector<1x16xf32>,
        %swap3A_97 = vector.shape_cast %swap3A_96 : vector<1x16xf32> to vector<16xf32>
        %swap3A_98 = vector.shape_cast %mul3A_93 : vector<16xf32> to vector<1x16xf32>
        tpu.vector_store %arg12[%swap3A_94, %swap3A_95], %swap3A_98 {strides = array<i32>} : memref<80x128xf32, #tpu.memory_space<vmem>>, vector<1x16xf32>,
        %get3A_99 = arith.index_cast %scan3A_44 : i32 to index
        %get3A_100 = arith.constant 64 : index
        %get3A_101 = tpu.vector_load %arg10[%get3A_99, %get3A_100] {strides = array<i32>} : memref<80x128xf32, #tpu.memory_space<vmem>>, vector<1x16xf32>,
        %get3A_102 = vector.shape_cast %get3A_101 : vector<1x16xf32> to vector<16xf32>
        %get3A_103 = arith.index_cast %scan3A_44 : i32 to index
        %get3A_104 = arith.constant 64 : index
        %get3A_105 = tpu.vector_load %arg11[%get3A_103, %get3A_104] {strides = array<i32>} : memref<80x128xf32, #tpu.memory_space<vmem>>, vector<1x16xf32>,
        %get3A_106 = vector.shape_cast %get3A_105 : vector<1x16xf32> to vector<16xf32>
        %mul3A_107 = arith.mulf %get3A_102, %get3A_106 : vector<16xf32>
        %swap3A_108 = arith.index_cast %scan3A_44 : i32 to index
        %swap3A_109 = arith.constant 64 : index
        %swap3A_110 = tpu.vector_load %arg12[%swap3A_108, %swap3A_109] {strides = array<i32>} : memref<80x128xf32, #tpu.memory_space<vmem>>, vector<1x16xf32>,
        %swap3A_111 = vector.shape_cast %swap3A_110 : vector<1x16xf32> to vector<16xf32>
        %swap3A_112 = vector.shape_cast %mul3A_107 : vector<16xf32> to vector<1x16xf32>
        tpu.vector_store %arg12[%swap3A_108, %swap3A_109], %swap3A_112 {strides = array<i32>} : memref<80x128xf32, #tpu.memory_space<vmem>>, vector<1x16xf32>,
        %get3A_113 = arith.index_cast %scan3A_44 : i32 to index
        %get3A_114 = arith.constant 80 : index
        %get3A_115 = tpu.vector_load %arg10[%get3A_113, %get3A_114] {strides = array<i32>} : memref<80x128xf32, #tpu.memory_space<vmem>>, vector<1x16xf32>,
        %get3A_116 = vector.shape_cast %get3A_115 : vector<1x16xf32> to vector<16xf32>
        %get3A_117 = arith.index_cast %scan3A_44 : i32 to index
        %get3A_118 = arith.constant 80 : index
        %get3A_119 = tpu.vector_load %arg11[%get3A_117, %get3A_118] {strides = array<i32>} : memref<80x128xf32, #tpu.memory_space<vmem>>, vector<1x16xf32>,
        %get3A_120 = vector.shape_cast %get3A_119 : vector<1x16xf32> to vector<16xf32>
        %mul3A_121 = arith.mulf %get3A_116, %get3A_120 : vector<16xf32>
        %swap3A_122 = arith.index_cast %scan3A_44 : i32 to index
        %swap3A_123 = arith.constant 80 : index
        %swap3A_124 = tpu.vector_load %arg12[%swap3A_122, %swap3A_123] {strides = array<i32>} : memref<80x128xf32, #tpu.memory_space<vmem>>, vector<1x16xf32>,
        %swap3A_125 = vector.shape_cast %swap3A_124 : vector<1x16xf32> to vector<16xf32>
        %swap3A_126 = vector.shape_cast %mul3A_121 : vector<16xf32> to vector<1x16xf32>
        tpu.vector_store %arg12[%swap3A_122, %swap3A_123], %swap3A_126 {strides = array<i32>} : memref<80x128xf32, #tpu.memory_space<vmem>>, vector<1x16xf32>,
        %get3A_127 = arith.index_cast %scan3A_44 : i32 to index
        %get3A_128 = arith.constant 96 : index
        %get3A_129 = tpu.vector_load %arg10[%get3A_127, %get3A_128] {strides = array<i32>} : memref<80x128xf32, #tpu.memory_space<vmem>>, vector<1x16xf32>,
        %get3A_130 = vector.shape_cast %get3A_129 : vector<1x16xf32> to vector<16xf32>
        %get3A_131 = arith.index_cast %scan3A_44 : i32 to index
        %get3A_132 = arith.constant 96 : index
        %get3A_133 = tpu.vector_load %arg11[%get3A_131, %get3A_132] {strides = array<i32>} : memref<80x128xf32, #tpu.memory_space<vmem>>, vector<1x16xf32>,
        %get3A_134 = vector.shape_cast %get3A_133 : vector<1x16xf32> to vector<16xf32>
        %mul3A_135 = arith.mulf %get3A_130, %get3A_134 : vector<16xf32>
        %swap3A_136 = arith.index_cast %scan3A_44 : i32 to index
        %swap3A_137 = arith.constant 96 : index
        %swap3A_138 = tpu.vector_load %arg12[%swap3A_136, %swap3A_137] {strides = array<i32>} : memref<80x128xf32, #tpu.memory_space<vmem>>, vector<1x16xf32>,
        %swap3A_139 = vector.shape_cast %swap3A_138 : vector<1x16xf32> to vector<16xf32>
        %swap3A_140 = vector.shape_cast %mul3A_135 : vector<16xf32> to vector<1x16xf32>
        tpu.vector_store %arg12[%swap3A_136, %swap3A_137], %swap3A_140 {strides = array<i32>} : memref<80x128xf32, #tpu.memory_space<vmem>>, vector<1x16xf32>,
        %get3A_141 = arith.index_cast %scan3A_44 : i32 to index
        %get3A_142 = arith.constant 112 : index
        %get3A_143 = tpu.vector_load %arg10[%get3A_141, %get3A_142] {strides = array<i32>} : memref<80x128xf32, #tpu.memory_space<vmem>>, vector<1x16xf32>,
        %get3A_144 = vector.shape_cast %get3A_143 : vector<1x16xf32> to vector<16xf32>
        %get3A_145 = arith.index_cast %scan3A_44 : i32 to index
        %get3A_146 = arith.constant 112 : index
        %get3A_147 = tpu.vector_load %arg11[%get3A_145, %get3A_146] {strides = array<i32>} : memref<80x128xf32, #tpu.memory_space<vmem>>, vector<1x16xf32>,
        %get3A_148 = vector.shape_cast %get3A_147 : vector<1x16xf32> to vector<16xf32>
        %mul3A_149 = arith.mulf %get3A_144, %get3A_148 : vector<16xf32>
        %swap3A_150 = arith.index_cast %scan3A_44 : i32 to index
        %swap3A_151 = arith.constant 112 : index
        %swap3A_152 = tpu.vector_load %arg12[%swap3A_150, %swap3A_151] {strides = array<i32>} : memref<80x128xf32, #tpu.memory_space<vmem>>, vector<1x16xf32>,
        %swap3A_153 = vector.shape_cast %swap3A_152 : vector<1x16xf32> to vector<16xf32>
        %swap3A_154 = vector.shape_cast %mul3A_149 : vector<16xf32> to vector<1x16xf32>
        tpu.vector_store %arg12[%swap3A_150, %swap3A_151], %swap3A_154 {strides = array<i32>} : memref<80x128xf32, #tpu.memory_space<vmem>>, vector<1x16xf32>,
      }
      %scan3A_43 = arith.constant 80 : i32
      "tpu.region"() ({
        %run_scoped3A = tpu.sem_alloc : memref<!tpu.dma_semaphore, #tpu.memory_space<semaphore_mem>>
        %dma_start3A_44 = arith.constant 0 : i32
        %dma_start3A_45 = arith.constant 0 : i32
        %dma_start3A_46 = tpu.memref_slice %arg13[%dma_start3A_44, %dma_start3A_45] : memref<10240x128xf32, #tpu.memory_space<vmem_shared>> -> memref<10240x128xf32, #tpu.memory_space<vmem_shared>>
        tpu.enqueue_indirect_dma source(%arg12 : memref<80x128xf32, #tpu.memory_space<vmem>>) target(%dma_start3A_46 : memref<10240x128xf32, #tpu.memory_space<vmem_shared>>) offsets(%arg9 : memref<80xi32, #tpu.memory_space<vmem>>) semaphore(%run_scoped3A : memref<!tpu.dma_semaphore, #tpu.memory_space<semaphore_mem>>) {add = true}
        %dma_wait3A_47 = arith.constant 0 : i32
        %dma_wait3A_48 = arith.constant 0 : i32
        %dma_wait3A_49 = tpu.memref_slice %arg13[%dma_wait3A_47, %dma_wait3A_48] : memref<10240x128xf32, #tpu.memory_space<vmem_shared>> -> memref<10240x128xf32, #tpu.memory_space<vmem_shared>>
        tpu.wait_indirect_dma semaphore(%run_scoped3A : memref<!tpu.dma_semaphore, #tpu.memory_space<semaphore_mem>>) src(%arg12 : memref<80x128xf32, #tpu.memory_space<vmem>>) dst(%dma_wait3A_49 : memref<10240x128xf32, #tpu.memory_space<vmem_shared>>)
        tpu.yield
      }) : () -> ()
    }
    %scan3A_6 = arith.constant 250 : i32
    %barrier3A_7 = arith.constant 0 : index
    tpu.barrier barrier_id(%barrier3A_7)
    %mul3A_8 = arith.constant 10240 : i32
    %mul3A_9 = arith.muli %add3A_1, %mul3A_8 : i32
    %add3A_10 = arith.addi %mul3A_9, %mul3A_0 : i32
    "tpu.region"() ({
      %run_scoped3A = tpu.sem_alloc : memref<!tpu.dma_semaphore, #tpu.memory_space<semaphore_mem>>
      %dma_start3A = arith.constant 0 : i32
      %dma_start3A_25 = tpu.memref_slice %arg7[%add3A_10, %dma_start3A] : memref<40960x128xf32, #tpu.memory_space<hbm>> -> memref<640x128xf32, #tpu.memory_space<hbm>>
      %dma_start3A_26 = arith.constant 0 : i32
      %dma_start3A_27 = tpu.memref_slice %arg13[%mul3A_0, %dma_start3A_26] : memref<10240x128xf32, #tpu.memory_space<vmem_shared>> -> memref<640x128xf32, #tpu.memory_space<vmem_shared>>
      tpu.enqueue_dma source(%dma_start3A_27 : memref<640x128xf32, #tpu.memory_space<vmem_shared>>) target(%dma_start3A_25 : memref<640x128xf32, #tpu.memory_space<hbm>>) target_semaphore(%run_scoped3A : memref<!tpu.dma_semaphore, #tpu.memory_space<semaphore_mem>>)
      %dma_wait3A = arith.constant 0 : i32
      %dma_wait3A_28 = tpu.memref_slice %arg7[%add3A_10, %dma_wait3A] : memref<40960x128xf32, #tpu.memory_space<hbm>> -> memref<640x128xf32, #tpu.memory_space<hbm>>
      %dma_wait3A_29 = arith.constant 0 : i32
      %dma_wait3A_30 = tpu.memref_slice %arg13[%mul3A_0, %dma_wait3A_29] : memref<10240x128xf32, #tpu.memory_space<vmem_shared>> -> memref<640x128xf32, #tpu.memory_space<vmem_shared>>
      tpu.wait_dma2 semaphore(%run_scoped3A : memref<!tpu.dma_semaphore, #tpu.memory_space<semaphore_mem>>) src(%dma_wait3A_30 : memref<640x128xf32, #tpu.memory_space<vmem_shared>>) dst(%dma_wait3A_28 : memref<640x128xf32, #tpu.memory_space<hbm>>)
      tpu.yield
    }) : () -> ()
    %barrier3A_11 = arith.constant 0 : index
    tpu.barrier barrier_id(%barrier3A_11)
    %add3A_12 = arith.constant 2 : i32
    %add3A_13 = arith.addi %add3A_12, %arg0 : i32
    "tpu.region"() ({
      %run_scoped3A = tpu.sem_alloc : memref<!tpu.dma_semaphore, #tpu.memory_space<semaphore_mem>>
      %dma_start3A = arith.constant 0 : i32
      %dma_start3A_25 = tpu.memref_slice %arg13[%mul3A_0, %dma_start3A] : memref<10240x128xf32, #tpu.memory_space<vmem_shared>> -> memref<640x128xf32, #tpu.memory_space<vmem_shared>>
      tpu.enqueue_dma source(%arg6 : memref<640x128xf32, #tpu.memory_space<hbm>>) target(%dma_start3A_25 : memref<640x128xf32, #tpu.memory_space<vmem_shared>>) target_semaphore(%run_scoped3A : memref<!tpu.dma_semaphore, #tpu.memory_space<semaphore_mem>>)
      %dma_wait3A = arith.constant 0 : i32
      %dma_wait3A_26 = tpu.memref_slice %arg13[%mul3A_0, %dma_wait3A] : memref<10240x128xf32, #tpu.memory_space<vmem_shared>> -> memref<640x128xf32, #tpu.memory_space<vmem_shared>>
      tpu.wait_dma2 semaphore(%run_scoped3A : memref<!tpu.dma_semaphore, #tpu.memory_space<semaphore_mem>>) src(%arg6 : memref<640x128xf32, #tpu.memory_space<hbm>>) dst(%dma_wait3A_26 : memref<640x128xf32, #tpu.memory_space<vmem_shared>>)
      tpu.yield
    }) : () -> ()
    %barrier3A_14 = arith.constant 0 : index
    tpu.barrier barrier_id(%barrier3A_14)
    %scan3A_15 = arith.constant 0 : i32
    %scan3A_16 = arith.constant 0 : i32
    %scan3A_17 = arith.constant 250 : i32
    %scan3A_18 = arith.addi %scan3A_16, %scan3A_17 : i32
    %scan3A_19 = arith.constant 1 : i32
    scf.for %scan3A_25 = %scan3A_16 to %scan3A_18 step %scan3A_19  : i32 {
      %mul3A_26 = arith.constant 20000 : i32
      %mul3A_27 = arith.muli %arg1, %mul3A_26 : i32
      %mul3A_28 = arith.constant 80 : i32
      %mul3A_29 = arith.muli %scan3A_25, %mul3A_28 : i32
      %add3A_30 = arith.addi %mul3A_27, %mul3A_29 : i32
      "tpu.region"() ({
        %run_scoped3A = tpu.sem_alloc : memref<!tpu.dma_semaphore, #tpu.memory_space<semaphore_mem>>
        %dma_start3A_44 = tpu.memref_slice %arg3[%add3A_30] : memref<320000xi32, #tpu.memory_space<hbm>> -> memref<80xi32, #tpu.memory_space<hbm>>
        %dma_start3A_45 = tpu.memref_slice %arg3[%add3A_30] : memref<320000xi32, #tpu.memory_space<hbm>> -> memref<80xi32, #tpu.memory_space<hbm>>
        tpu.enqueue_dma source(%dma_start3A_45 : memref<80xi32, #tpu.memory_space<hbm>>) target(%arg8 : memref<80xi32, #tpu.memory_space<vmem>>) target_semaphore(%run_scoped3A : memref<!tpu.dma_semaphore, #tpu.memory_space<semaphore_mem>>)
        %dma_wait3A_46 = tpu.memref_slice %arg3[%add3A_30] : memref<320000xi32, #tpu.memory_space<hbm>> -> memref<80xi32, #tpu.memory_space<hbm>>
        %dma_wait3A_47 = tpu.memref_slice %arg3[%add3A_30] : memref<320000xi32, #tpu.memory_space<hbm>> -> memref<80xi32, #tpu.memory_space<hbm>>
        tpu.wait_dma2 semaphore(%run_scoped3A : memref<!tpu.dma_semaphore, #tpu.memory_space<semaphore_mem>>) src(%dma_wait3A_47 : memref<80xi32, #tpu.memory_space<hbm>>) dst(%arg8 : memref<80xi32, #tpu.memory_space<vmem>>)
        tpu.yield
      }) : () -> ()
      "tpu.region"() ({
        %run_scoped3A = tpu.sem_alloc : memref<!tpu.dma_semaphore, #tpu.memory_space<semaphore_mem>>
        %dma_start3A_44 = tpu.memref_slice %arg4[%add3A_30] : memref<320000xi32, #tpu.memory_space<hbm>> -> memref<80xi32, #tpu.memory_space<hbm>>
        %dma_start3A_45 = tpu.memref_slice %arg4[%add3A_30] : memref<320000xi32, #tpu.memory_space<hbm>> -> memref<80xi32, #tpu.memory_space<hbm>>
        tpu.enqueue_dma source(%dma_start3A_45 : memref<80xi32, #tpu.memory_space<hbm>>) target(%arg9 : memref<80xi32, #tpu.memory_space<vmem>>) target_semaphore(%run_scoped3A : memref<!tpu.dma_semaphore, #tpu.memory_space<semaphore_mem>>)
        %dma_wait3A_46 = tpu.memref_slice %arg4[%add3A_30] : memref<320000xi32, #tpu.memory_space<hbm>> -> memref<80xi32, #tpu.memory_space<hbm>>
        %dma_wait3A_47 = tpu.memref_slice %arg4[%add3A_30] : memref<320000xi32, #tpu.memory_space<hbm>> -> memref<80xi32, #tpu.memory_space<hbm>>
        tpu.wait_dma2 semaphore(%run_scoped3A : memref<!tpu.dma_semaphore, #tpu.memory_space<semaphore_mem>>) src(%dma_wait3A_47 : memref<80xi32, #tpu.memory_space<hbm>>) dst(%arg9 : memref<80xi32, #tpu.memory_space<vmem>>)
        tpu.yield
      }) : () -> ()
      %mul3A_31 = arith.constant 320000 : i32
      %mul3A_32 = arith.muli %add3A_13, %mul3A_31 : i32
      %add3A_33 = arith.addi %mul3A_32, %add3A_30 : i32
      "tpu.region"() ({
        %run_scoped3A = tpu.sem_alloc : memref<!tpu.dma_semaphore, #tpu.memory_space<semaphore_mem>>
        %dma_start3A_44 = arith.constant 0 : i32
        %dma_start3A_45 = tpu.memref_slice %arg5[%add3A_33, %dma_start3A_44] : memref<1280000x128xf32, #tpu.memory_space<hbm>> -> memref<80x128xf32, #tpu.memory_space<hbm>>
        %dma_start3A_46 = arith.constant 0 : i32
        %dma_start3A_47 = tpu.memref_slice %arg5[%add3A_33, %dma_start3A_46] : memref<1280000x128xf32, #tpu.memory_space<hbm>> -> memref<80x128xf32, #tpu.memory_space<hbm>>
        tpu.enqueue_dma source(%dma_start3A_47 : memref<80x128xf32, #tpu.memory_space<hbm>>) target(%arg11 : memref<80x128xf32, #tpu.memory_space<vmem>>) target_semaphore(%run_scoped3A : memref<!tpu.dma_semaphore, #tpu.memory_space<semaphore_mem>>)
        %dma_wait3A_48 = arith.constant 0 : i32
        %dma_wait3A_49 = tpu.memref_slice %arg5[%add3A_33, %dma_wait3A_48] : memref<1280000x128xf32, #tpu.memory_space<hbm>> -> memref<80x128xf32, #tpu.memory_space<hbm>>
        %dma_wait3A_50 = arith.constant 0 : i32
        %dma_wait3A_51 = tpu.memref_slice %arg5[%add3A_33, %dma_wait3A_50] : memref<1280000x128xf32, #tpu.memory_space<hbm>> -> memref<80x128xf32, #tpu.memory_space<hbm>>
        tpu.wait_dma2 semaphore(%run_scoped3A : memref<!tpu.dma_semaphore, #tpu.memory_space<semaphore_mem>>) src(%dma_wait3A_51 : memref<80x128xf32, #tpu.memory_space<hbm>>) dst(%arg11 : memref<80x128xf32, #tpu.memory_space<vmem>>)
        tpu.yield
      }) : () -> ()
      %dma_start3A = arith.constant 0 : i32
      %dma_start3A_34 = arith.constant 0 : i32
      %dma_start3A_35 = tpu.memref_slice %arg2[%dma_start3A, %dma_start3A_34] : memref<10000x128xf32, #tpu.memory_space<hbm>> -> memref<10000x128xf32, #tpu.memory_space<hbm>>
      tpu.enqueue_indirect_dma source(%dma_start3A_35 : memref<10000x128xf32, #tpu.memory_space<hbm>>) target(%arg10 : memref<80x128xf32, #tpu.memory_space<vmem>>) offsets(%arg8 : memref<80xi32, #tpu.memory_space<vmem>>) semaphore(%arg14 : memref<!tpu.dma_semaphore, #tpu.memory_space<semaphore_mem>>)
      %dma_wait3A = arith.constant 0 : i32
      %dma_wait3A_36 = arith.constant 0 : i32
      %dma_wait3A_37 = tpu.memref_slice %arg2[%dma_wait3A, %dma_wait3A_36] : memref<10000x128xf32, #tpu.memory_space<hbm>> -> memref<10000x128xf32, #tpu.memory_space<hbm>>
      tpu.wait_indirect_dma semaphore(%arg14 : memref<!tpu.dma_semaphore, #tpu.memory_space<semaphore_mem>>) src(%dma_wait3A_37 : memref<10000x128xf32, #tpu.memory_space<hbm>>) dst(%arg10 : memref<80x128xf32, #tpu.memory_space<vmem>>)
      %scan3A_38 = arith.constant 0 : i32
      %scan3A_39 = arith.constant 0 : i32
      %scan3A_40 = arith.constant 80 : i32
      %scan3A_41 = arith.addi %scan3A_39, %scan3A_40 : i32
      %scan3A_42 = arith.constant 1 : i32
      scf.for %scan3A_44 = %scan3A_39 to %scan3A_41 step %scan3A_42  : i32 {
        %get3A = arith.index_cast %scan3A_44 : i32 to index
        %get3A_45 = arith.constant 0 : index
        %get3A_46 = tpu.vector_load %arg10[%get3A, %get3A_45] {strides = array<i32>} : memref<80x128xf32, #tpu.memory_space<vmem>>, vector<1x16xf32>,
        %get3A_47 = vector.shape_cast %get3A_46 : vector<1x16xf32> to vector<16xf32>
        %get3A_48 = arith.index_cast %scan3A_44 : i32 to index
        %get3A_49 = arith.constant 0 : index
        %get3A_50 = tpu.vector_load %arg11[%get3A_48, %get3A_49] {strides = array<i32>} : memref<80x128xf32, #tpu.memory_space<vmem>>, vector<1x16xf32>,
        %get3A_51 = vector.shape_cast %get3A_50 : vector<1x16xf32> to vector<16xf32>
        %mul3A_52 = arith.mulf %get3A_47, %get3A_51 : vector<16xf32>
        %swap3A = arith.index_cast %scan3A_44 : i32 to index
        %swap3A_53 = arith.constant 0 : index
        %swap3A_54 = tpu.vector_load %arg12[%swap3A, %swap3A_53] {strides = array<i32>} : memref<80x128xf32, #tpu.memory_space<vmem>>, vector<1x16xf32>,
        %swap3A_55 = vector.shape_cast %swap3A_54 : vector<1x16xf32> to vector<16xf32>
        %swap3A_56 = vector.shape_cast %mul3A_52 : vector<16xf32> to vector<1x16xf32>
        tpu.vector_store %arg12[%swap3A, %swap3A_53], %swap3A_56 {strides = array<i32>} : memref<80x128xf32, #tpu.memory_space<vmem>>, vector<1x16xf32>,
        %get3A_57 = arith.index_cast %scan3A_44 : i32 to index
        %get3A_58 = arith.constant 16 : index
        %get3A_59 = tpu.vector_load %arg10[%get3A_57, %get3A_58] {strides = array<i32>} : memref<80x128xf32, #tpu.memory_space<vmem>>, vector<1x16xf32>,
        %get3A_60 = vector.shape_cast %get3A_59 : vector<1x16xf32> to vector<16xf32>
        %get3A_61 = arith.index_cast %scan3A_44 : i32 to index
        %get3A_62 = arith.constant 16 : index
        %get3A_63 = tpu.vector_load %arg11[%get3A_61, %get3A_62] {strides = array<i32>} : memref<80x128xf32, #tpu.memory_space<vmem>>, vector<1x16xf32>,
        %get3A_64 = vector.shape_cast %get3A_63 : vector<1x16xf32> to vector<16xf32>
        %mul3A_65 = arith.mulf %get3A_60, %get3A_64 : vector<16xf32>
        %swap3A_66 = arith.index_cast %scan3A_44 : i32 to index
        %swap3A_67 = arith.constant 16 : index
        %swap3A_68 = tpu.vector_load %arg12[%swap3A_66, %swap3A_67] {strides = array<i32>} : memref<80x128xf32, #tpu.memory_space<vmem>>, vector<1x16xf32>,
        %swap3A_69 = vector.shape_cast %swap3A_68 : vector<1x16xf32> to vector<16xf32>
        %swap3A_70 = vector.shape_cast %mul3A_65 : vector<16xf32> to vector<1x16xf32>
        tpu.vector_store %arg12[%swap3A_66, %swap3A_67], %swap3A_70 {strides = array<i32>} : memref<80x128xf32, #tpu.memory_space<vmem>>, vector<1x16xf32>,
        %get3A_71 = arith.index_cast %scan3A_44 : i32 to index
        %get3A_72 = arith.constant 32 : index
        %get3A_73 = tpu.vector_load %arg10[%get3A_71, %get3A_72] {strides = array<i32>} : memref<80x128xf32, #tpu.memory_space<vmem>>, vector<1x16xf32>,
        %get3A_74 = vector.shape_cast %get3A_73 : vector<1x16xf32> to vector<16xf32>
        %get3A_75 = arith.index_cast %scan3A_44 : i32 to index
        %get3A_76 = arith.constant 32 : index
        %get3A_77 = tpu.vector_load %arg11[%get3A_75, %get3A_76] {strides = array<i32>} : memref<80x128xf32, #tpu.memory_space<vmem>>, vector<1x16xf32>,
        %get3A_78 = vector.shape_cast %get3A_77 : vector<1x16xf32> to vector<16xf32>
        %mul3A_79 = arith.mulf %get3A_74, %get3A_78 : vector<16xf32>
        %swap3A_80 = arith.index_cast %scan3A_44 : i32 to index
        %swap3A_81 = arith.constant 32 : index
        %swap3A_82 = tpu.vector_load %arg12[%swap3A_80, %swap3A_81] {strides = array<i32>} : memref<80x128xf32, #tpu.memory_space<vmem>>, vector<1x16xf32>,
        %swap3A_83 = vector.shape_cast %swap3A_82 : vector<1x16xf32> to vector<16xf32>
        %swap3A_84 = vector.shape_cast %mul3A_79 : vector<16xf32> to vector<1x16xf32>
        tpu.vector_store %arg12[%swap3A_80, %swap3A_81], %swap3A_84 {strides = array<i32>} : memref<80x128xf32, #tpu.memory_space<vmem>>, vector<1x16xf32>,
        %get3A_85 = arith.index_cast %scan3A_44 : i32 to index
        %get3A_86 = arith.constant 48 : index
        %get3A_87 = tpu.vector_load %arg10[%get3A_85, %get3A_86] {strides = array<i32>} : memref<80x128xf32, #tpu.memory_space<vmem>>, vector<1x16xf32>,
        %get3A_88 = vector.shape_cast %get3A_87 : vector<1x16xf32> to vector<16xf32>
        %get3A_89 = arith.index_cast %scan3A_44 : i32 to index
        %get3A_90 = arith.constant 48 : index
        %get3A_91 = tpu.vector_load %arg11[%get3A_89, %get3A_90] {strides = array<i32>} : memref<80x128xf32, #tpu.memory_space<vmem>>, vector<1x16xf32>,
        %get3A_92 = vector.shape_cast %get3A_91 : vector<1x16xf32> to vector<16xf32>
        %mul3A_93 = arith.mulf %get3A_88, %get3A_92 : vector<16xf32>
        %swap3A_94 = arith.index_cast %scan3A_44 : i32 to index
        %swap3A_95 = arith.constant 48 : index
        %swap3A_96 = tpu.vector_load %arg12[%swap3A_94, %swap3A_95] {strides = array<i32>} : memref<80x128xf32, #tpu.memory_space<vmem>>, vector<1x16xf32>,
        %swap3A_97 = vector.shape_cast %swap3A_96 : vector<1x16xf32> to vector<16xf32>
        %swap3A_98 = vector.shape_cast %mul3A_93 : vector<16xf32> to vector<1x16xf32>
        tpu.vector_store %arg12[%swap3A_94, %swap3A_95], %swap3A_98 {strides = array<i32>} : memref<80x128xf32, #tpu.memory_space<vmem>>, vector<1x16xf32>,
        %get3A_99 = arith.index_cast %scan3A_44 : i32 to index
        %get3A_100 = arith.constant 64 : index
        %get3A_101 = tpu.vector_load %arg10[%get3A_99, %get3A_100] {strides = array<i32>} : memref<80x128xf32, #tpu.memory_space<vmem>>, vector<1x16xf32>,
        %get3A_102 = vector.shape_cast %get3A_101 : vector<1x16xf32> to vector<16xf32>
        %get3A_103 = arith.index_cast %scan3A_44 : i32 to index
        %get3A_104 = arith.constant 64 : index
        %get3A_105 = tpu.vector_load %arg11[%get3A_103, %get3A_104] {strides = array<i32>} : memref<80x128xf32, #tpu.memory_space<vmem>>, vector<1x16xf32>,
        %get3A_106 = vector.shape_cast %get3A_105 : vector<1x16xf32> to vector<16xf32>
        %mul3A_107 = arith.mulf %get3A_102, %get3A_106 : vector<16xf32>
        %swap3A_108 = arith.index_cast %scan3A_44 : i32 to index
        %swap3A_109 = arith.constant 64 : index
        %swap3A_110 = tpu.vector_load %arg12[%swap3A_108, %swap3A_109] {strides = array<i32>} : memref<80x128xf32, #tpu.memory_space<vmem>>, vector<1x16xf32>,
        %swap3A_111 = vector.shape_cast %swap3A_110 : vector<1x16xf32> to vector<16xf32>
        %swap3A_112 = vector.shape_cast %mul3A_107 : vector<16xf32> to vector<1x16xf32>
        tpu.vector_store %arg12[%swap3A_108, %swap3A_109], %swap3A_112 {strides = array<i32>} : memref<80x128xf32, #tpu.memory_space<vmem>>, vector<1x16xf32>,
        %get3A_113 = arith.index_cast %scan3A_44 : i32 to index
        %get3A_114 = arith.constant 80 : index
        %get3A_115 = tpu.vector_load %arg10[%get3A_113, %get3A_114] {strides = array<i32>} : memref<80x128xf32, #tpu.memory_space<vmem>>, vector<1x16xf32>,
        %get3A_116 = vector.shape_cast %get3A_115 : vector<1x16xf32> to vector<16xf32>
        %get3A_117 = arith.index_cast %scan3A_44 : i32 to index
        %get3A_118 = arith.constant 80 : index
        %get3A_119 = tpu.vector_load %arg11[%get3A_117, %get3A_118] {strides = array<i32>} : memref<80x128xf32, #tpu.memory_space<vmem>>, vector<1x16xf32>,
        %get3A_120 = vector.shape_cast %get3A_119 : vector<1x16xf32> to vector<16xf32>
        %mul3A_121 = arith.mulf %get3A_116, %get3A_120 : vector<16xf32>
        %swap3A_122 = arith.index_cast %scan3A_44 : i32 to index
        %swap3A_123 = arith.constant 80 : index
        %swap3A_124 = tpu.vector_load %arg12[%swap3A_122, %swap3A_123] {strides = array<i32>} : memref<80x128xf32, #tpu.memory_space<vmem>>, vector<1x16xf32>,
        %swap3A_125 = vector.shape_cast %swap3A_124 : vector<1x16xf32> to vector<16xf32>
        %swap3A_126 = vector.shape_cast %mul3A_121 : vector<16xf32> to vector<1x16xf32>
        tpu.vector_store %arg12[%swap3A_122, %swap3A_123], %swap3A_126 {strides = array<i32>} : memref<80x128xf32, #tpu.memory_space<vmem>>, vector<1x16xf32>,
        %get3A_127 = arith.index_cast %scan3A_44 : i32 to index
        %get3A_128 = arith.constant 96 : index
        %get3A_129 = tpu.vector_load %arg10[%get3A_127, %get3A_128] {strides = array<i32>} : memref<80x128xf32, #tpu.memory_space<vmem>>, vector<1x16xf32>,
        %get3A_130 = vector.shape_cast %get3A_129 : vector<1x16xf32> to vector<16xf32>
        %get3A_131 = arith.index_cast %scan3A_44 : i32 to index
        %get3A_132 = arith.constant 96 : index
        %get3A_133 = tpu.vector_load %arg11[%get3A_131, %get3A_132] {strides = array<i32>} : memref<80x128xf32, #tpu.memory_space<vmem>>, vector<1x16xf32>,
        %get3A_134 = vector.shape_cast %get3A_133 : vector<1x16xf32> to vector<16xf32>
        %mul3A_135 = arith.mulf %get3A_130, %get3A_134 : vector<16xf32>
        %swap3A_136 = arith.index_cast %scan3A_44 : i32 to index
        %swap3A_137 = arith.constant 96 : index
        %swap3A_138 = tpu.vector_load %arg12[%swap3A_136, %swap3A_137] {strides = array<i32>} : memref<80x128xf32, #tpu.memory_space<vmem>>, vector<1x16xf32>,
        %swap3A_139 = vector.shape_cast %swap3A_138 : vector<1x16xf32> to vector<16xf32>
        %swap3A_140 = vector.shape_cast %mul3A_135 : vector<16xf32> to vector<1x16xf32>
        tpu.vector_store %arg12[%swap3A_136, %swap3A_137], %swap3A_140 {strides = array<i32>} : memref<80x128xf32, #tpu.memory_space<vmem>>, vector<1x16xf32>,
        %get3A_141 = arith.index_cast %scan3A_44 : i32 to index
        %get3A_142 = arith.constant 112 : index
        %get3A_143 = tpu.vector_load %arg10[%get3A_141, %get3A_142] {strides = array<i32>} : memref<80x128xf32, #tpu.memory_space<vmem>>, vector<1x16xf32>,
        %get3A_144 = vector.shape_cast %get3A_143 : vector<1x16xf32> to vector<16xf32>
        %get3A_145 = arith.index_cast %scan3A_44 : i32 to index
        %get3A_146 = arith.constant 112 : index
        %get3A_147 = tpu.vector_load %arg11[%get3A_145, %get3A_146] {strides = array<i32>} : memref<80x128xf32, #tpu.memory_space<vmem>>, vector<1x16xf32>,
        %get3A_148 = vector.shape_cast %get3A_147 : vector<1x16xf32> to vector<16xf32>
        %mul3A_149 = arith.mulf %get3A_144, %get3A_148 : vector<16xf32>
        %swap3A_150 = arith.index_cast %scan3A_44 : i32 to index
        %swap3A_151 = arith.constant 112 : index
        %swap3A_152 = tpu.vector_load %arg12[%swap3A_150, %swap3A_151] {strides = array<i32>} : memref<80x128xf32, #tpu.memory_space<vmem>>, vector<1x16xf32>,
        %swap3A_153 = vector.shape_cast %swap3A_152 : vector<1x16xf32> to vector<16xf32>
        %swap3A_154 = vector.shape_cast %mul3A_149 : vector<16xf32> to vector<1x16xf32>
        tpu.vector_store %arg12[%swap3A_150, %swap3A_151], %swap3A_154 {strides = array<i32>} : memref<80x128xf32, #tpu.memory_space<vmem>>, vector<1x16xf32>,
      }
      %scan3A_43 = arith.constant 80 : i32
      "tpu.region"() ({
        %run_scoped3A = tpu.sem_alloc : memref<!tpu.dma_semaphore, #tpu.memory_space<semaphore_mem>>
        %dma_start3A_44 = arith.constant 0 : i32
        %dma_start3A_45 = arith.constant 0 : i32
        %dma_start3A_46 = tpu.memref_slice %arg13[%dma_start3A_44, %dma_start3A_45] : memref<10240x128xf32, #tpu.memory_space<vmem_shared>> -> memref<10240x128xf32, #tpu.memory_space<vmem_shared>>
        tpu.enqueue_indirect_dma source(%arg12 : memref<80x128xf32, #tpu.memory_space<vmem>>) target(%dma_start3A_46 : memref<10240x128xf32, #tpu.memory_space<vmem_shared>>) offsets(%arg9 : memref<80xi32, #tpu.memory_space<vmem>>) semaphore(%run_scoped3A : memref<!tpu.dma_semaphore, #tpu.memory_space<semaphore_mem>>) {add = true}
        %dma_wait3A_47 = arith.constant 0 : i32
        %dma_wait3A_48 = arith.constant 0 : i32
        %dma_wait3A_49 = tpu.memref_slice %arg13[%dma_wait3A_47, %dma_wait3A_48] : memref<10240x128xf32, #tpu.memory_space<vmem_shared>> -> memref<10240x128xf32, #tpu.memory_space<vmem_shared>>
        tpu.wait_indirect_dma semaphore(%run_scoped3A : memref<!tpu.dma_semaphore, #tpu.memory_space<semaphore_mem>>) src(%arg12 : memref<80x128xf32, #tpu.memory_space<vmem>>) dst(%dma_wait3A_49 : memref<10240x128xf32, #tpu.memory_space<vmem_shared>>)
        tpu.yield
      }) : () -> ()
    }
    %scan3A_20 = arith.constant 250 : i32
    %barrier3A_21 = arith.constant 0 : index
    tpu.barrier barrier_id(%barrier3A_21)
    %mul3A_22 = arith.constant 10240 : i32
    %mul3A_23 = arith.muli %add3A_13, %mul3A_22 : i32
    %add3A_24 = arith.addi %mul3A_23, %mul3A_0 : i32
    "tpu.region"() ({
      %run_scoped3A = tpu.sem_alloc : memref<!tpu.dma_semaphore, #tpu.memory_space<semaphore_mem>>
      %dma_start3A = arith.constant 0 : i32
      %dma_start3A_25 = tpu.memref_slice %arg7[%add3A_24, %dma_start3A] : memref<40960x128xf32, #tpu.memory_space<hbm>> -> memref<640x128xf32, #tpu.memory_space<hbm>>
      %dma_start3A_26 = arith.constant 0 : i32
      %dma_start3A_27 = tpu.memref_slice %arg13[%mul3A_0, %dma_start3A_26] : memref<10240x128xf32, #tpu.memory_space<vmem_shared>> -> memref<640x128xf32, #tpu.memory_space<vmem_shared>>
      tpu.enqueue_dma source(%dma_start3A_27 : memref<640x128xf32, #tpu.memory_space<vmem_shared>>) target(%dma_start3A_25 : memref<640x128xf32, #tpu.memory_space<hbm>>) target_semaphore(%run_scoped3A : memref<!tpu.dma_semaphore, #tpu.memory_space<semaphore_mem>>)
      %dma_wait3A = arith.constant 0 : i32
      %dma_wait3A_28 = tpu.memref_slice %arg7[%add3A_24, %dma_wait3A] : memref<40960x128xf32, #tpu.memory_space<hbm>> -> memref<640x128xf32, #tpu.memory_space<hbm>>
      %dma_wait3A_29 = arith.constant 0 : i32
      %dma_wait3A_30 = tpu.memref_slice %arg13[%mul3A_0, %dma_wait3A_29] : memref<10240x128xf32, #tpu.memory_space<vmem_shared>> -> memref<640x128xf32, #tpu.memory_space<vmem_shared>>
      tpu.wait_dma2 semaphore(%run_scoped3A : memref<!tpu.dma_semaphore, #tpu.memory_space<semaphore_mem>>) src(%dma_wait3A_30 : memref<640x128xf32, #tpu.memory_space<vmem_shared>>) dst(%dma_wait3A_28 : memref<640x128xf32, #tpu.memory_space<hbm>>)
      tpu.yield
    }) : () -> ()
    return
  }
}

module attributes {stable_mosaic.version = 14 : i64} {
  func.func @_coef_body(%arg0: i32, %arg1: memref<1280x3xf32, #tpu.memory_space<vmem>>, %arg2: memref<8x64xf32, #tpu.memory_space<vmem>>, %arg3: memref<64x64xf32, #tpu.memory_space<vmem>>, %arg4: memref<64x256xf32, #tpu.memory_space<vmem>>, %arg5: memref<4x1280x128xf32, #tpu.memory_space<vmem>>) attributes {dimension_semantics = [#tpu.dimension_semantics<arbitrary>], iteration_bounds = array<i64: 250>, scalar_prefetch = 0 : i64, scratch_operands = 0 : i64, tpu.core_type = #tpu.core_type<tc>, window_params = [{transform_indices = @transform_0, window_bounds = array<i64: 1280, 3>}, {pipeline_mode = #tpu.pipeline_mode<synchronous>, transform_indices = @transform_1, window_bounds = array<i64: 8, 64>}, {pipeline_mode = #tpu.pipeline_mode<synchronous>, transform_indices = @transform_2, window_bounds = array<i64: 64, 64>}, {pipeline_mode = #tpu.pipeline_mode<synchronous>, transform_indices = @transform_3, window_bounds = array<i64: 64, 256>}, {transform_indices = @transform_4, window_bounds = array<i64: 4, 1280, 128>}]} {
    %get3A = arith.constant 0 : index
    %get3A_0 = arith.constant 0 : index
    %get3A_1 = vector.load %arg1[%get3A, %get3A_0] : memref<1280x3xf32, #tpu.memory_space<vmem>>, vector<1280x3xf32>
    %mul3A = arith.mulf %get3A_1, %get3A_1 : vector<1280x3xf32>
    %reduce_sum3A = arith.constant dense<0.000000e+00> : vector<1280xf32>
    %reduce_sum3A_2 = vector.multi_reduction <add>, %mul3A, %reduce_sum3A [1] : vector<1280x3xf32> to vector<1280xf32>
    %broadcast_in_dim3A = vector.shape_cast %reduce_sum3A_2 : vector<1280xf32> to vector<1280x1xf32>
    %sqrt3A = math.sqrt %broadcast_in_dim3A : vector<1280x1xf32>
    %eq3A = arith.constant 0.000000e+00 : f32
    %eq3A_3 = vector.broadcast %eq3A : f32 to vector<1280x1xf32>
    %eq3A_4 = arith.cmpf oeq, %sqrt3A, %eq3A_3 : vector<1280x1xf32>
    %jit3A = arith.constant 1.000000e+00 : f32
    %broadcast_in_dim3A_5 = vector.broadcast %jit3A : f32 to vector<1280x1xf32>
    %select_n3A = arith.select %eq3A_4, %broadcast_in_dim3A_5, %sqrt3A : vector<1280x1xi1>, vector<1280x1xf32>
    %div3A = arith.constant 1.73205078 : f32
    %div3A_6 = vector.broadcast %div3A : f32 to vector<1280x1xf32>
    %div3A_7 = arith.divf %div3A_6, %select_n3A : vector<1280x1xf32>
    %mul3A_8 = vector.broadcast %div3A_7 : vector<1280x1xf32> to vector<1280x3xf32>
    %mul3A_9 = arith.mulf %mul3A_8, %get3A_1 : vector<1280x3xf32>
    %iota3A = tpu.iota {dimensions = array<i32: 1>} : vector<1280x8xi32>
    %convert_element_type3A = arith.sitofp %iota3A : vector<1280x8xi32> to vector<1280x8xf32>
    %add3A = arith.constant 1.000000e+00 : f32
    %add3A_10 = vector.broadcast %add3A : f32 to vector<1280x8xf32>
    %add3A_11 = arith.addf %convert_element_type3A, %add3A_10 : vector<1280x8xf32>
    %eq3A_12 = arith.constant 0.000000e+00 : f32
    %eq3A_13 = vector.broadcast %eq3A_12 : f32 to vector<1280x1xf32>
    %eq3A_14 = arith.cmpf oeq, %sqrt3A, %eq3A_13 : vector<1280x1xf32>
    %jit3A_15 = arith.constant 1.000000e+00 : f32
    %broadcast_in_dim3A_16 = vector.broadcast %jit3A_15 : f32 to vector<1280x1xf32>
    %select_n3A_17 = arith.select %eq3A_14, %broadcast_in_dim3A_16, %sqrt3A : vector<1280x1xi1>, vector<1280x1xf32>
    %eq3A_18 = arith.constant 0.000000e+00 : f32
    %eq3A_19 = vector.broadcast %eq3A_18 : f32 to vector<1280x1xf32>
    %eq3A_20 = arith.cmpf oeq, %sqrt3A, %eq3A_19 : vector<1280x1xf32>
    %mul3A_21 = arith.constant 3.14159274 : f32
    %mul3A_22 = vector.broadcast %mul3A_21 : f32 to vector<1280x8xf32>
    %mul3A_23 = arith.mulf %add3A_11, %mul3A_22 : vector<1280x8xf32>
    %mul3A_24 = arith.constant 3.14159274 : f32
    %mul3A_25 = vector.broadcast %mul3A_24 : f32 to vector<1280x1xf32>
    %mul3A_26 = arith.mulf %mul3A_25, %sqrt3A : vector<1280x1xf32>
    %mul3A_27 = vector.broadcast %mul3A_26 : vector<1280x1xf32> to vector<1280x8xf32>
    %mul3A_28 = arith.mulf %add3A_11, %mul3A_27 : vector<1280x8xf32>
    %sin3A = math.sin %mul3A_28 : vector<1280x8xf32>
    %div3A_29 = vector.broadcast %select_n3A_17 : vector<1280x1xf32> to vector<1280x8xf32>
    %div3A_30 = arith.divf %sin3A, %div3A_29 : vector<1280x8xf32>
    %broadcast_in_dim3A_31 = vector.shape_cast %eq3A_20 : vector<1280x1xi1> to vector<1280x1xi1>
    %broadcast_in_dim3A_32 = vector.broadcast %broadcast_in_dim3A_31 : vector<1280x1xi1> to vector<1280x8xi1>
    %select_n3A_33 = arith.select %broadcast_in_dim3A_32, %mul3A_23, %div3A_30 : vector<1280x8xi1>, vector<1280x8xf32>
    %mul3A_34 = arith.constant 1.41421354 : f32
    %mul3A_35 = vector.broadcast %mul3A_34 : f32 to vector<1280x8xf32>
    %mul3A_36 = arith.mulf %mul3A_35, %select_n3A_33 : vector<1280x8xf32>
    %broadcast_in_dim3A_37 = arith.constant -2.100000e+01 : f32
    %broadcast_in_dim3A_38 = vector.broadcast %broadcast_in_dim3A_37 : f32 to vector<1280x1xf32>
    %mul3A_39 = arith.mulf %broadcast_in_dim3A_38, %sqrt3A : vector<1280x1xf32>
    %add3A_40 = arith.constant 4.800000e+01 : f32
    %add3A_41 = vector.broadcast %add3A_40 : f32 to vector<1280x1xf32>
    %add3A_42 = arith.addf %mul3A_39, %add3A_41 : vector<1280x1xf32>
    %mul3A_43 = arith.mulf %add3A_42, %sqrt3A : vector<1280x1xf32>
    %add3A_44 = arith.constant -2.800000e+01 : f32
    %add3A_45 = vector.broadcast %add3A_44 : f32 to vector<1280x1xf32>
    %add3A_46 = arith.addf %mul3A_43, %add3A_45 : vector<1280x1xf32>
    %mul3A_47 = arith.mulf %add3A_46, %sqrt3A : vector<1280x1xf32>
    %add3A_48 = arith.constant 0.000000e+00 : f32
    %add3A_49 = vector.broadcast %add3A_48 : f32 to vector<1280x1xf32>
    %add3A_50 = arith.addf %mul3A_47, %add3A_49 : vector<1280x1xf32>
    %mul3A_51 = arith.mulf %add3A_50, %sqrt3A : vector<1280x1xf32>
    %add3A_52 = arith.constant 0.000000e+00 : f32
    %add3A_53 = vector.broadcast %add3A_52 : f32 to vector<1280x1xf32>
    %add3A_54 = arith.addf %mul3A_51, %add3A_53 : vector<1280x1xf32>
    %mul3A_55 = arith.mulf %add3A_54, %sqrt3A : vector<1280x1xf32>
    %add3A_56 = arith.constant 0.000000e+00 : f32
    %add3A_57 = vector.broadcast %add3A_56 : f32 to vector<1280x1xf32>
    %add3A_58 = arith.addf %mul3A_55, %add3A_57 : vector<1280x1xf32>
    %mul3A_59 = arith.mulf %add3A_58, %sqrt3A : vector<1280x1xf32>
    %add3A_60 = arith.constant 0.000000e+00 : f32
    %add3A_61 = vector.broadcast %add3A_60 : f32 to vector<1280x1xf32>
    %add3A_62 = arith.addf %mul3A_59, %add3A_61 : vector<1280x1xf32>
    %mul3A_63 = arith.mulf %add3A_62, %sqrt3A : vector<1280x1xf32>
    %add3A_64 = arith.constant 0.000000e+00 : f32
    %add3A_65 = vector.broadcast %add3A_64 : f32 to vector<1280x1xf32>
    %add3A_66 = arith.addf %mul3A_63, %add3A_65 : vector<1280x1xf32>
    %mul3A_67 = arith.mulf %add3A_66, %sqrt3A : vector<1280x1xf32>
    %add3A_68 = arith.constant 1.000000e+00 : f32
    %add3A_69 = vector.broadcast %add3A_68 : f32 to vector<1280x1xf32>
    %add3A_70 = arith.addf %mul3A_67, %add3A_69 : vector<1280x1xf32>
    %lt3A = arith.constant 1.000000e+00 : f32
    %lt3A_71 = vector.broadcast %lt3A : f32 to vector<1280x1xf32>
    %lt3A_72 = arith.cmpf olt, %sqrt3A, %lt3A_71 : vector<1280x1xf32>
    %jit3A_73 = arith.constant 0.000000e+00 : f32
    %broadcast_in_dim3A_74 = vector.broadcast %jit3A_73 : f32 to vector<1280x1xf32>
    %select_n3A_75 = arith.select %lt3A_72, %add3A_70, %broadcast_in_dim3A_74 : vector<1280x1xi1>, vector<1280x1xf32>
    %mul3A_76 = vector.broadcast %select_n3A_75 : vector<1280x1xf32> to vector<1280x8xf32>
    %mul3A_77 = arith.mulf %mul3A_36, %mul3A_76 : vector<1280x8xf32>
    %get3A_78 = arith.constant 0 : index
    %get3A_79 = arith.constant 0 : index
    %get3A_80 = vector.load %arg2[%get3A_78, %get3A_79] : memref<8x64xf32, #tpu.memory_space<vmem>>, vector<8x64xf32>
    %dot_general3A = arith.constant dense<0.000000e+00> : vector<1280x64xf32>
    %dot_general3A_81 = tpu.matmul %mul3A_77, %get3A_80, %dot_general3A {dimension_numbers = #tpu.dot_dimension_numbers<[1], [0], [0], [1], [0, 0, 1, 1], [], []>, transpose_lhs_hint = false} : vector<1280x8xf32>, vector<8x64xf32>, vector<1280x64xf32> -> vector<1280x64xf32>
    %mul3A_82 = arith.constant 1.67532051 : f32
    %mul3A_83 = vector.broadcast %mul3A_82 : f32 to vector<1280x64xf32>
    %mul3A_84 = arith.mulf %mul3A_83, %dot_general3A_81 : vector<1280x64xf32>
    %neg3A = arith.constant 0.000000e+00 : f32
    %neg3A_85 = vector.broadcast %neg3A : f32 to vector<1280x64xf32>
    %neg3A_86 = arith.subf %neg3A_85, %dot_general3A_81 : vector<1280x64xf32>
    %exp3A = math.exp %neg3A_86 : vector<1280x64xf32>
    %add3A_87 = arith.constant 1.000000e+00 : f32
    %add3A_88 = vector.broadcast %add3A_87 : f32 to vector<1280x64xf32>
    %add3A_89 = arith.addf %add3A_88, %exp3A : vector<1280x64xf32>
    %div3A_90 = arith.divf %mul3A_84, %add3A_89 : vector<1280x64xf32>
    %get3A_91 = arith.constant 0 : index
    %get3A_92 = arith.constant 0 : index
    %get3A_93 = vector.load %arg3[%get3A_91, %get3A_92] : memref<64x64xf32, #tpu.memory_space<vmem>>, vector<64x64xf32>
    %dot_general3A_94 = arith.constant dense<0.000000e+00> : vector<1280x64xf32>
    %dot_general3A_95 = tpu.matmul %div3A_90, %get3A_93, %dot_general3A_94 {dimension_numbers = #tpu.dot_dimension_numbers<[1], [0], [0], [1], [0, 0, 1, 1], [], []>, transpose_lhs_hint = false} : vector<1280x64xf32>, vector<64x64xf32>, vector<1280x64xf32> -> vector<1280x64xf32>
    %mul3A_96 = arith.constant 1.67532051 : f32
    %mul3A_97 = vector.broadcast %mul3A_96 : f32 to vector<1280x64xf32>
    %mul3A_98 = arith.mulf %mul3A_97, %dot_general3A_95 : vector<1280x64xf32>
    %neg3A_99 = arith.constant 0.000000e+00 : f32
    %neg3A_100 = vector.broadcast %neg3A_99 : f32 to vector<1280x64xf32>
    %neg3A_101 = arith.subf %neg3A_100, %dot_general3A_95 : vector<1280x64xf32>
    %exp3A_102 = math.exp %neg3A_101 : vector<1280x64xf32>
    %add3A_103 = arith.constant 1.000000e+00 : f32
    %add3A_104 = vector.broadcast %add3A_103 : f32 to vector<1280x64xf32>
    %add3A_105 = arith.addf %add3A_104, %exp3A_102 : vector<1280x64xf32>
    %div3A_106 = arith.divf %mul3A_98, %add3A_105 : vector<1280x64xf32>
    %get3A_107 = arith.constant 0 : index
    %get3A_108 = arith.constant 0 : index
    %get3A_109 = vector.load %arg4[%get3A_107, %get3A_108] : memref<64x256xf32, #tpu.memory_space<vmem>>, vector<64x256xf32>
    %dot_general3A_110 = arith.constant dense<0.000000e+00> : vector<1280x256xf32>
    %dot_general3A_111 = tpu.matmul %div3A_106, %get3A_109, %dot_general3A_110 {dimension_numbers = #tpu.dot_dimension_numbers<[1], [0], [0], [1], [0, 0, 1, 1], [], []>, transpose_lhs_hint = false} : vector<1280x64xf32>, vector<64x256xf32>, vector<1280x256xf32> -> vector<1280x256xf32>
    %mul3A_112 = arith.constant 0.176776692 : f32
    %mul3A_113 = vector.broadcast %mul3A_112 : f32 to vector<1280x256xf32>
    %mul3A_114 = arith.mulf %dot_general3A_111, %mul3A_113 : vector<1280x256xf32>
    %slice3A = vector.extract_strided_slice %mul3A_114 {offsets = [0, 0], sizes = [1280, 128], strides = [1, 1]} : vector<1280x256xf32> to vector<1280x128xf32>
    %swap3A = arith.constant 0 : index
    %swap3A_115 = arith.constant 0 : index
    %swap3A_116 = arith.constant 0 : index
    %swap3A_117 = vector.load %arg5[%swap3A, %swap3A_115, %swap3A_116] : memref<4x1280x128xf32, #tpu.memory_space<vmem>>, vector<1x1280x128xf32>
    %swap3A_118 = vector.shape_cast %swap3A_117 : vector<1x1280x128xf32> to vector<1280x128xf32>
    %swap3A_119 = vector.shape_cast %slice3A : vector<1280x128xf32> to vector<1x1280x128xf32>
    tpu.vector_store %arg5[%swap3A, %swap3A_115, %swap3A_116], %swap3A_119 {strides = array<i32>} : memref<4x1280x128xf32, #tpu.memory_space<vmem>>, vector<1x1280x128xf32>,
    %slice3A_120 = vector.extract_strided_slice %mul3A_114 {offsets = [0, 128], sizes = [1280, 128], strides = [1, 1]} : vector<1280x256xf32> to vector<1280x128xf32>
    %slice3A_121 = vector.extract_strided_slice %mul3A_9 {offsets = [0, 0], sizes = [1280, 1], strides = [1, 1]} : vector<1280x3xf32> to vector<1280x1xf32>
    %mul3A_122 = vector.broadcast %slice3A_121 : vector<1280x1xf32> to vector<1280x128xf32>
    %mul3A_123 = arith.mulf %slice3A_120, %mul3A_122 : vector<1280x128xf32>
    %swap3A_124 = arith.constant 1 : index
    %swap3A_125 = arith.constant 0 : index
    %swap3A_126 = arith.constant 0 : index
    %swap3A_127 = vector.load %arg5[%swap3A_124, %swap3A_125, %swap3A_126] : memref<4x1280x128xf32, #tpu.memory_space<vmem>>, vector<1x1280x128xf32>
    %swap3A_128 = vector.shape_cast %swap3A_127 : vector<1x1280x128xf32> to vector<1280x128xf32>
    %swap3A_129 = vector.shape_cast %mul3A_123 : vector<1280x128xf32> to vector<1x1280x128xf32>
    tpu.vector_store %arg5[%swap3A_124, %swap3A_125, %swap3A_126], %swap3A_129 {strides = array<i32>} : memref<4x1280x128xf32, #tpu.memory_space<vmem>>, vector<1x1280x128xf32>,
    %slice3A_130 = vector.extract_strided_slice %mul3A_114 {offsets = [0, 128], sizes = [1280, 128], strides = [1, 1]} : vector<1280x256xf32> to vector<1280x128xf32>
    %slice3A_131 = vector.extract_strided_slice %mul3A_9 {offsets = [0, 1], sizes = [1280, 1], strides = [1, 1]} : vector<1280x3xf32> to vector<1280x1xf32>
    %mul3A_132 = vector.broadcast %slice3A_131 : vector<1280x1xf32> to vector<1280x128xf32>
    %mul3A_133 = arith.mulf %slice3A_130, %mul3A_132 : vector<1280x128xf32>
    %swap3A_134 = arith.constant 2 : index
    %swap3A_135 = arith.constant 0 : index
    %swap3A_136 = arith.constant 0 : index
    %swap3A_137 = vector.load %arg5[%swap3A_134, %swap3A_135, %swap3A_136] : memref<4x1280x128xf32, #tpu.memory_space<vmem>>, vector<1x1280x128xf32>
    %swap3A_138 = vector.shape_cast %swap3A_137 : vector<1x1280x128xf32> to vector<1280x128xf32>
    %swap3A_139 = vector.shape_cast %mul3A_133 : vector<1280x128xf32> to vector<1x1280x128xf32>
    tpu.vector_store %arg5[%swap3A_134, %swap3A_135, %swap3A_136], %swap3A_139 {strides = array<i32>} : memref<4x1280x128xf32, #tpu.memory_space<vmem>>, vector<1x1280x128xf32>,
    %slice3A_140 = vector.extract_strided_slice %mul3A_114 {offsets = [0, 128], sizes = [1280, 128], strides = [1, 1]} : vector<1280x256xf32> to vector<1280x128xf32>
    %slice3A_141 = vector.extract_strided_slice %mul3A_9 {offsets = [0, 2], sizes = [1280, 1], strides = [1, 1]} : vector<1280x3xf32> to vector<1280x1xf32>
    %mul3A_142 = vector.broadcast %slice3A_141 : vector<1280x1xf32> to vector<1280x128xf32>
    %mul3A_143 = arith.mulf %slice3A_140, %mul3A_142 : vector<1280x128xf32>
    %swap3A_144 = arith.constant 3 : index
    %swap3A_145 = arith.constant 0 : index
    %swap3A_146 = arith.constant 0 : index
    %swap3A_147 = vector.load %arg5[%swap3A_144, %swap3A_145, %swap3A_146] : memref<4x1280x128xf32, #tpu.memory_space<vmem>>, vector<1x1280x128xf32>
    %swap3A_148 = vector.shape_cast %swap3A_147 : vector<1x1280x128xf32> to vector<1280x128xf32>
    %swap3A_149 = vector.shape_cast %mul3A_143 : vector<1280x128xf32> to vector<1x1280x128xf32>
    tpu.vector_store %arg5[%swap3A_144, %swap3A_145, %swap3A_146], %swap3A_149 {strides = array<i32>} : memref<4x1280x128xf32, #tpu.memory_space<vmem>>, vector<1x1280x128xf32>,
    return
  }
  func.func @transform_0(%arg0: i32) -> (i32, i32) {
    %c0_i32 = arith.constant 0 : i32
    %c0_i32_0 = arith.constant 0 : i32
    return %arg0, %c0_i32 : i32, i32
  }
  func.func @transform_1(%arg0: i32) -> (i32, i32) {
    %c0_i32 = arith.constant 0 : i32
    %c0_i32_0 = arith.constant 0 : i32
    %c0_i32_1 = arith.constant 0 : i32
    return %c0_i32, %c0_i32_0 : i32, i32
  }
  func.func @transform_2(%arg0: i32) -> (i32, i32) {
    %c0_i32 = arith.constant 0 : i32
    %c0_i32_0 = arith.constant 0 : i32
    %c0_i32_1 = arith.constant 0 : i32
    return %c0_i32, %c0_i32_0 : i32, i32
  }
  func.func @transform_3(%arg0: i32) -> (i32, i32) {
    %c0_i32 = arith.constant 0 : i32
    %c0_i32_0 = arith.constant 0 : i32
    %c0_i32_1 = arith.constant 0 : i32
    return %c0_i32, %c0_i32_0 : i32, i32
  }
  func.func @transform_4(%arg0: i32) -> (i32, i32, i32) {
    %c0_i32 = arith.constant 0 : i32
    %c0_i32_0 = arith.constant 0 : i32
    %c0_i32_1 = arith.constant 0 : i32
    return %c0_i32, %arg0, %c0_i32_0 : i32, i32, i32
  }
}

</mosaic_0001>

<sc_bundles>
// kernel: kernel.4.cloned.1.call-start
scs
__scs_entry_jumppad:
0x0: {  	(pc) =	sbr.rel $0x88, $3  }
0x1: {  	(tag) =	ssettag $0x0;
	lr =	simm.s32 $0x1  }
0x2: {  	[smem:$0x3F9A] =	sst lr;
	_ =	strace $0xD0000000  }
0x3: {  	_ = 	snop  }
0x4: {  	_ = 	snop  }
0x5: {  	_ = 	snop  }
0x6: {  	_ = 	snop  }
0x7: {  	_ = 	snop  }
__scs_overlays_trampoline_lowered:
0x8: {  	[smem:$0x3FA9] =	sst s0  }
0x9: {  	[smem:$0x3FAA] =	sst s1  }
0xa: {  	[smem:$0x3FAB] =	sst s2  }
0xb: {  	[smem:$0x3FAC] =	sst s3  }
0xc: {  	[smem:$0x3FAD] =	sst s4  }
0xd: {  	[smem:$0x3FAE] =	sst s5  }
0xe: {  	[smem:$0x3FAF] =	sst s6  }
0xf: {  	[smem:$0x3FB0] =	sst s7  }
0x10: {  	[smem:$0x3FB1] =	sst s8  }
0x11: {  	[smem:$0x3FB2] =	sst s9;
	s0 =	simm.s32 @!p0 $0x0  }
0x12: {  	s1 =	sld [smem:$0x3F98];
	s0 =	simm.s32 @p0 $0x1  }
0x13: {  	[smem:$0x3FB3] =	sst s0;
	s0 =	simm.s32 @!p1 $0x0  }
0x14: {  	s2 =	sld [smem:$0x3F97];
	s0 =	simm.s32 @p1 $0x1  }
0x15: {  	[smem:$0x3FB4] =	sst s0;
	s0 =	simm.s32 @!p2 $0x0  }
0x16: {  	s3 =	sld [smem:$0x3FDB];
	s0 =	simm.s32 @p2 $0x1  }
0x17: {  	s4 =	simm.s32 $0x1BF5;
	[smem:$0x3FB6] =	sst s0  }
0x18: {  	s0 =	sld [smem:$0x3F99];
	_ =	swait.ge [sflag:s4], $0x0  }
0x19: {  	s7 =	sld [smem:$0x3F9A]  }
0x1a: {  	s8 =	sadd.s32 $0xFFFFE003, lr  }
0x1b: {  	s9 =	sadd.s32 $0xFFFFFEF7, lr;
	s5 =	simm.s32 $0xFFFFFFFF;
	p2 =	slt.u32 s8, $0xFFFFF086  }
0x1c: {  	p1 =	slt.u32 s9, $0xF7A;
	s5 =	simm.s32 @!p2 $0x0  }
0x1d: {  	s5 =	simm.s32 @p1 $0x1;
	p0 =	seq.s32 s7, s2  }
0x1e: {  	s7 =	smul.u32 @!p0 $0xF7A, s2;
	p2 =	seq.s32 @!p0 s5, $0x0  }
0x1f: {  	s9 =	smul.u32 $0xF7A, s1;
	s8 =	simm.s32 @!p0 $0x1BF5;
	p2 =	por !p2, p0  }
0x20: {  	[sflag:s8] =	ssyncset.s32 @!p0 $0xFFFFF086;
	s6 =	sadd.s32 @!p0 s3, s7;
	s7 =	simm.s32 @!p0 $0x108  }
0x21: {  	s3 =	sadd.s32 s3, s9;
	s6 =	sadd.s32 @!p0 $0x88, s6;
	s7 =	simm.s32 @p2 $0x1082  }
0x22: {  	[simem:s7], [sflag:s8] =	dma.local @!p0 [hbm:s6], $0xF7A  }
0x23: {  	s9 =	sor.u32 $0xD0000000, s2;
	s6 =	simm.s32 $0x108;
	_ =	swait.ge @!p0 [sflag:s8], $0x0  }
0x24: {  	s3 =	sadd.s32 $0x88, s3;
	s6 =	simm.s32 @!p1 $0x1082;
	[sflag:s4] =	ssyncset.s32 $0xFFFFF086  }
0x25: {  	[simem:s6], [sflag:s4] =	dma.local [hbm:s3], $0xF7A  }
0x26: {  	[smem:$0x3F9A] =	sst s1;
	(tag) =	ssettag s2;
	_ =	strace s9  }
0x27: {  	s1 =	sld [smem:$0x3FAA]  }
0x28: {  	s2 =	sld [smem:$0x3FAB]  }
0x29: {  	s4 =	sld [smem:$0x3FAD]  }
0x2a: {  	p0 =	seq.s32 s5, $0x0;
	s5 =	sld [smem:$0x3FAE]  }
0x2b: {  	s6 =	sld [smem:$0x3FAF]  }
0x2c: {  	s7 =	sld [smem:$0x3FB0]  }
0x2d: {  	s3 =	simm.s32 $0x108;
	s8 =	sld [smem:$0x3FB1]  }
0x2e: {  	s3 =	simm.s32 @!p0 $0x1082;
	s9 =	sld [smem:$0x3FB2]  }
0x2f: {  	lr =	sadd.s32 s0, s3;
	s0 =	sld [smem:$0x3FA9]  }
0x30: {  	s3 =	sld [smem:$0x3FAC]  }
0x31: {  	[smem:$0x3FB5] =	sst s10  }
0x32: {  	s10 =	sld [smem:$0x3FB3];
	_ =	sdelay $0x3  }
0x33: {  	p0 =	seq.s32 s10, $0x1;
	s10 =	sld [smem:$0x3FB5];
	_ =	sdelay $0x3  }
0x34: {  	[smem:$0x3FB5] =	sst s10  }
0x35: {  	s10 =	sld [smem:$0x3FB4];
	_ =	sdelay $0x3  }
0x36: {  	p1 =	seq.s32 s10, $0x1;
	s10 =	sld [smem:$0x3FB5];
	_ =	sdelay $0x3  }
0x37: {  	[smem:$0x3FB5] =	sst s10  }
0x38: {  	s10 =	sld [smem:$0x3FB6]  }
0x39: {  	_ = 	snop;
	(pc) =	sbr.ind lr, $3  }
0x3a: {  	_ = 	snop  }
0x3b: {  	_ = 	snop  }
0x3c: {  	p2 =	seq.s32 s10, $0x1;
	s10 =	sld [smem:$0x3FB5]  }
0x3d: {  	_ =	shalt  }
0x3e: {  	_ =	shalt  }
0x3f: {  	_ =	shalt  }
0x40: {  	_ =	shalt  }
0x41: {  	_ =	shalt  }
0x42: {  	_ =	shalt  }
0x43: {  	_ =	shalt  }
0x44: {  	_ =	shalt  }
0x45: {  	_ =	shalt  }
0x46: {  	_ =	shalt  }
0x47: {  	_ =	shalt  }
0x48: {  	_ =	shalt  }
0x49: {  	_ =	shalt  }
0x4a: {  	_ =	shalt  }
0x4b: {  	_ =	shalt  }
0x4c: {  	_ =	shalt  }
0x4d: {  	_ =	shalt  }
0x4e: {  	_ =	shalt  }
0x4f: {  	_ =	shalt  }
0x50: {  	_ =	shalt  }
0x51: {  	_ =	shalt  }
0x52: {  	_ =	shalt  }
0x53: {  	_ =	shalt  }
0x54: {  	_ =	shalt  }
0x55: {  	_ =	shalt  }
0x56: {  	_ =	shalt  }
0x57: {  	_ =	shalt  }
0x58: {  	_ =	shalt  }
0x59: {  	_ =	shalt  }
0x5a: {  	_ =	shalt  }
0x5b: {  	_ =	shalt  }
0x5c: {  	_ =	shalt  }
0x5d: {  	_ =	shalt  }
0x5e: {  	_ =	shalt  }
0x5f: {  	_ =	shalt  }
0x60: {  	_ =	shalt  }
0x61: {  	_ =	shalt  }
0x62: {  	_ =	shalt  }
0x63: {  	_ =	shalt  }
0x64: {  	_ =	shalt  }
0x65: {  	_ =	shalt  }
0x66: {  	_ =	shalt  }
0x67: {  	_ =	shalt  }
0x68: {  	_ =	shalt  }
0x69: {  	_ =	shalt  }
0x6a: {  	_ =	shalt  }
0x6b: {  	_ =	shalt  }
0x6c: {  	_ =	shalt  }
0x6d: {  	_ =	shalt  }
0x6e: {  	_ =	shalt  }
0x6f: {  	_ =	shalt  }
0x70: {  	_ =	shalt  }
0x71: {  	_ =	shalt  }
0x72: {  	_ =	shalt  }
0x73: {  	_ =	shalt  }
0x74: {  	_ =	shalt  }
0x75: {  	_ =	shalt  }
0x76: {  	_ =	shalt  }
0x77: {  	_ =	shalt  }
0x78: {  	_ =	shalt  }
0x79: {  	_ =	shalt  }
0x7a: {  	_ =	shalt  }
0x7b: {  	_ =	shalt  }
0x7c: {  	_ =	shalt  }
0x7d: {  	_ =	shalt  }
0x7e: {  	_ =	shalt  }
0x7f: {  	_ =	shalt  }
0x80: {  	_ =	shalt  }
0x81: {  	_ =	shalt  }
0x82: {  	_ =	shalt  }
0x83: {  	_ =	shalt  }
0x84: {  	_ =	shalt  }
0x85: {  	_ =	shalt  }
0x86: {  	_ =	shalt  }
0x87: {  	_ =	shalt  }
.Lfunc_end0:
.L_simem_size_0:
called_computation_lowered:
.L_overlay_start_0:
0x88: {  	s2 =	sld [smem:$0x3FD9]  }
0x89: {  	s3 =	sld [smem:$0x3FFE];
	_ =	sdelay $0x1  }
0x8a: {  	s1 =	srdreg.scid  }
0x8b: {  	s0 =	sand.u32 $0x1, s1  }
0x8c: {  	s17 =	sshll.u32 s0, $0xA;
	s2 =	sadd.s32 s3, s2  }
0x8d: {  	s2 =	sadd.s32 s2, s17  }
0x8e: {  	[smem:$0x3FC1] =	sst s2  }
0x8f: {  	_ = 	snop  }
0x90: {  	s2 =	sld [smem:$0x3FC8]  }
0x91: {  	s18 =	sld [smem:$0x3FC7]  }
0x92: {  	s4 =	sld [smem:$0x3FC6]  }
0x93: {  	s5 =	sld [smem:$0x3FD0];
	(tm) =	ssettm $0x1  }
0x94: {  	s6 =	sld [smem:$0x3FFB];
	_ =	sdelay $0x3  }
0x95: {  	_ =	strace s6  }
0x96: {  	s6 =	sld [smem:$0x3FFC];
	_ =	sdelay $0x3  }
0x97: {  	_ =	strace s6  }
0x98: {  	s6 =	sld [smem:$0x3FFD];
	_ =	sdelay $0x3  }
0x99: {  	_ =	strace s6  }
0x9a: {  	_ =	strace $0x8FFFFFFF  }
0x9b: {  	s19 =	sld [smem:$0x3FDB];
	_ =	sdelay $0x1  }
0x9c: {  	s7 =	simm.s32 $_scs_section_size  }
0x9d: {  	s8 =	simm.s32 $_size__tile_overlayer_lowered;
	s9 =	simm.s32 $_tile_overlayer_lowered  }
0x9e: {  	s22 =	simm.s32 $0x1BFF;
	s21 =	sshll.u32 s9, $0x1;
	s6 =	sadd.s32 s7, s19  }
0x9f: {  	s10 =	simm.s32 $0x0;
	s20 =	sshll.u32 s8, $0x1;
	s8 =	sadd.s32 s21, s6  }
0xa0: {  	[timem:s10], [sflag:s22] =	dma.local [hbm:s8], s20  }
0xa1: {  	_ =	swait.ge [sflag:s22], s20  }
0xa2: {  	s7 =	ssub.s32 $0x0, s20;
	[sflag:s22] =	ssyncset.done $0x0  }
0xa3: {  	[sflag:s22] =	ssyncadd.s32 s7;
	_ =	sdelay $0x1  }
0xa4: {  	s23 =	simm.s32 $0x1B8B  }
0xa5: {  	_ =	swait.ge [sflag:s23], $0x1  }
0xa6: {  	[sflag:s23] =	ssyncset.done $0x0  }
0xa7: {  	s25 =	simm.s32 $0x1B8E;
	s24 =	sld [smem:$0x3FFE];
	[sflag:s23] =	ssyncadd.s32 $0xFFFFFFFF  }
0xa8: {  	s26 =	simm.s32 $execute0_lowered;
	[smem:$0x3FD2] =	sst s25  }
0xa9: {  	s8 =	sshll.u32 s26, $0x1;
	_ =	strace $0x80000046;
	[dreg:$0x1] =	wrdreg $0xFFFFFFFF  }
0xaa: {  	s28 =	simm.s32 $_size_execute0_lowered;
	s6 =	sadd.s32 s6, s8;
	[dreg:$0x0] =	wrdreg $0x0  }
0xab: {  	s8 =	sshll.u32 s28, $0x1;
	[dreg:$0x2] =	wrdreg s6  }
0xac: {  	[dreg:$0x3] =	wrdreg s8  }
0xad: {  	[dreg:$0x4] =	wrdreg $0xC0  }
0xae: {  	_ =	task [dreg:s10], $0x5FFFF  }
0xaf: {  	[dreg:$0x1] =	wrdreg $0xFFFFFFFF  }
0xb0: {  	[dreg:$0x0] =	wrdreg $0x60  }
0xb1: {  	[dreg:$0x2] =	wrdreg s2  }
0xb2: {  	[dreg:$0x3] =	wrdreg s18  }
0xb3: {  	[dreg:$0x4] =	wrdreg s4  }
0xb4: {  	[dreg:$0x5] =	wrdreg s24  }
0xb5: {  	[dreg:$0x6] =	wrdreg s5  }
0xb6: {  	[dreg:$0x7] =	wrdreg $0x79000  }
0xb7: {  	[dreg:$0x8] =	wrdreg $0x9  }
0xb8: {  	_ =	task.clear_ibuf [dreg:s10], $0x9FFFF;
	_ =	strace $0x90000046  }
0xb9: {  	s29 =	simm.s32 $0x9;
	_ =	strace $0x80000048  }
0xba: {  	_ =	swait.ge [sflag:s29], $0x1  }
0xbb: {  	[sflag:s29] =	ssyncadd.s32 $0xFFFFFFFF  }
0xbc: {  	_ =	strace $0x90000048  }
0xbd: {  	_ =	sfence  }
0xbe: {  	s30 =	sld [smem:$0x0];
	_ =	sdelay $0x2  }
0xbf: {  	s31 =	sshll.u32 s1, $0xD;
	s1 =	sshrl.u32 s1, $0x2  }
0xc0: {  	s3 =	sand.u32 $0x4000, s31;
	s1 =	sadd.s32 s1, s30  }
0xc1: {  	s0 =	sor.u32 s3, s0;
	s1 =	sshll.u32 s1, $0x11  }
0xc2: {  	s0 =	sor.u32 s1, s0  }
0xc3: {  	s0 =	sadd.s32 $0x8F2B, s0  }
0xc4: {  	[sflag:s0] =	ssyncadd.remote.s32 $0x1  }
0xc5: {  	_ =	sfence.sel $0xFFFF  }
0xc6: {  	[dreg:$0x0] =	wrdreg $0xFFFFFFFF;
	(pc) =	sbr.abs _section_cstart, $3  }
0xc7: {  	[dreg:$0x1] =	wrdreg $0xFFFFFFFF  }
0xc8: {  	_ =	task.clear_ibuf [dreg:s10], $0x2FFFF;
	_ =	strace $0x9FFFFFFF  }
0xc9: {  	(tm) =	ssettm $0x7FFFFFFF  }
tec
execute0_lowered:
.L_overlay_start_1:
0x0: {  	(tag) =	ssettag $0x1  }
0x1: {  	s1 =	rddreg [dreg:$0x0]  }
0x2: {  	s2 =	rddreg [dreg:$0x1]  }
0x3: {  	s3 =	rddreg [dreg:$0x2]  }
0x4: {  	s9 =	rddreg [dreg:$0x3]  }
0x5: {  	s4 =	rddreg [dreg:$0x4]  }
0x6: {  	s5 =	rddreg [dreg:$0x5]  }
0x7: {  	s0 =	rddreg [dreg:$0x6];
	s7 =	simm.s32 $0x0;
	s10 =	srdreg.scid  }
0x8: {  	s6 =	stileid.u32;
	s21 =	simm.s32 $0x100;
	s22 =	simm.s32 $0x1  }
0x9: {  	s23 =	simm.s32 $0x5100;
	[smem:$0x7FF] =	sst s7;
	s8 =	sadd.s32 $0x4E2A00, s9  }
0xa: {  	s11 =	sand.u32 $0x1, s10;
	s12 =	smul.u32 $0x280, s6;
	s14 =	sadd.s32 $0xA00, s9  }
0xb: {  	s29 =	smul.u32 $0x50000, s6;
	s17 =	sshll.u32 s6, $0x6;
	_ =	strace $0x80000047  }
0xc: {  	s28 =	ssub.s32 $0x2, s11;
	s15 =	smul.u32 $0x2800, s11;
	s16 =	sor.u32 $0x2, s11  }
0xd: {  	s9 =	sor.u32 $0x1C02, s17;
	s11 =	smul.u32 $0x4E200, s11;
	s17 =	simm.s32 $0x2  }
0xe: {  	s13 =	sshrl.u32 s28, $0x1;
	s10 =	sshrl.u32 s29, $0x2;
	s18 =	smul.u32 $0x2800, s16  }
0xf: {  	s19 =	ssub.s32 s28, s13;
	s20 =	sadd.s32 s10, s5;
	s30 =	sadd.s32 s12, s15  }
0x10: {  	s10 =	smul.u32 $0x4E20, s6;
	s12 =	sadd.s32 s12, s18;
	s13 =	sshll.u32 s30, $0x4  }
0x11: {  	s15 =	smax.u32 s19, $0x1;
	s18 =	simm.s32 $0x80;
	s19 =	simm.s32 $0x2900  }
0x12: {  	s31 =	sshll.u32 s12, $0x4;
	s12 =	sadd.s32 s14, s13;
	s13 =	smul.u32 $0x4E200, s16  }
0x13: {  	s16 =	sshrl.u32 s20, $0x3;
	s20 =	simm.s32 $0x50;
	s14 =	sadd.s32 s14, s31  }
.LBB2_1:
0x14: {  	[spmem:s16], [sflag:s9] =	dma.local [hbm:s4], $0x2800  }
0x15: {  	_ =	swait.ge [sflag:s17], $0x2800  }
0x16: {  	[sflag:s17] =	ssyncset.done $0x0  }
0x17: {  	[sflag:s17] =	ssyncadd.s32 $0xFFFFD800  }
0x18: {  	s24 =	simm.s32 $0x0;
	[bflag:$0x0] =	sbarrier.arrive $0xFFFF  }
.LBB2_2:
0x19: {  	s25 =	smul.u32 $0x50, s24;
	_ =	sdelay $0x1  }
0x1a: {  	s25 =	sadd.s32 s10, s25  }
0x1b: {  	s26 =	sshrl.u32 s25, $0x3  }
0x1c: {  	s29 =	simm.s32 $0x0;
	s28 =	sadd.s32 s2, s26  }
0x1d: {  	[tilespmem:s29], [sflag:$0x2] =	stream.linear.gather [hbm4b:s28+s29], $0x50, $0x38;
	[tilespmem:$0x1B900] =	vst v63  }
0x1e: {  	_ =	swait.ge [sflag:s17], $0x50  }
0x1f: {  	[sflag:s17] =	ssyncset.done $0x0  }
0x20: {  	s26 =	sadd.s32 s3, s26;
	[sflag:s17] =	ssyncadd.s32 $0xFFFFFFB0  }
0x21: {  	[tilespmem:s18], [sflag:$0x2] =	stream.linear.gather [hbm4b:s26+s29], $0x50, $0x38;
	[tilespmem:$0x1B900] =	vst v63  }
0x22: {  	s25 =	sadd.s32 s11, s25;
	_ =	swait.ge [sflag:s17], $0x50  }
0x23: {  	s25 =	sshll.u32 s25, $0x4;
	[sflag:s17] =	ssyncset.done $0x0  }
0x24: {  	s25 =	sadd.s32 s8, s25;
	[sflag:s17] =	ssyncadd.s32 $0xFFFFFFB0  }
0x25: {  	[tilespmem:s19], [sflag:$0x2] =	stream.linear.gather [hbm4b:s25+s29], $0x2800, $0x38;
	[tilespmem:$0x1B900] =	vst v63  }
0x26: {  	_ =	swait.ge [sflag:s17], $0x2800  }
0x27: {  	[sflag:s17] =	ssyncset.done $0x0  }
0x28: {  	[sflag:s17] =	ssyncadd.s32 $0xFFFFD800  }
0x29: {  	[tilespmem:s21], [sflag:$0x1] =	stream.indirect.gather [hbm4b:s1+s20], $0x80, s29, s20, $0xb8;
	[tilespmem:$0x1B900] =	vst v63  }
0x2a: {  	_ =	swait.ge [sflag:s22], $0x2800  }
0x2b: {  	[sflag:s22] =	ssyncset.done $0x0  }
0x2c: {  	s25 =	simm.s32 $0x0;
	[sflag:s22] =	ssyncadd.s32 $0xFFFFD800  }
0x2d: {  	v0 =	vld [tilespmem:s25+$0x170]  }
0x2e: {  	v1 =	vld [tilespmem:s25+$0x2970]  }
0x2f: {  	v2 =	vld [tilespmem:s25+$0x100]  }
0x30: {  	v3 =	vld [tilespmem:s25+$0x2900]  }
0x31: {  	v4 =	vld [tilespmem:s25+$0x110]  }
0x32: {  	v5 =	vld [tilespmem:s25+$0x2910]  }
0x33: {  	v6 =	vld [tilespmem:s25+$0x120]  }
0x34: {  	v7 =	vld [tilespmem:s25+$0x130]  }
0x35: {  	v0 =	vmul.f32 v1, v0;
	v1 =	vld [tilespmem:s25+$0x2920]  }
0x36: {  	v8 =	vld [tilespmem:s25+$0x2930]  }
0x37: {  	v9 =	vld [tilespmem:s25+$0x2940];
	v2 =	vmul.f32 v3, v2  }
0x38: {  	[tilespmem:s25+$0x5170] =	vst v0;
	v0 =	vmul.f32 v5, v4;
	v5 =	vld [tilespmem:s25+$0x140]  }
0x39: {  	v3 =	vld [tilespmem:s25+$0x2950];
	[tilespmem:s25+$0x5100] =	vst v2  }
0x3a: {  	v2 =	vld [tilespmem:s25+$0x150];
	[tilespmem:s25+$0x5110] =	vst v0;
	v0 =	vmul.f32 v1, v6  }
0x3b: {  	v4 =	vld [tilespmem:s25+$0x2960];
	v6 =	vmul.f32 v8, v7  }
0x3c: {  	s26 =	simm.s32 $0x80;
	[tilespmem:s25+$0x5120] =	vst v0;
	v0 =	vld [tilespmem:s25+$0x160]  }
0x3d: {  	s28 =	simm.s32 $0x400;
	v5 =	vmul.f32 v9, v5;
	v1 =	vld [tilespmem:s26+$0x170];
	[tilespmem:s25+$0x5130] =	vst v6  }
.LBB2_3:
0x3e: {  	p0 =	sne.s32 s28, $0x9E00;
	v6 =	vld [tilespmem:s26+$0x2970]  }
0x3f: {  	v7 =	vld [tilespmem:s26+$0x100];
	[tilespmem:s25+$0x5140] =	vst v5;
	v2 =	vmul.f32 v3, v2  }
0x40: {  	v3 =	vld [tilespmem:s26+$0x2900]  }
0x41: {  	v5 =	vld [tilespmem:s26+$0x110];
	[tilespmem:s25+$0x5150] =	vst v2;
	v0 =	vmul.f32 v4, v0  }
0x42: {  	v2 =	vld [tilespmem:s26+$0x2910]  }
0x43: {  	v4 =	vld [tilespmem:s26+$0x120];
	v1 =	vmul.f32 v6, v1;
	[tilespmem:s25+$0x5160] =	vst v0;
	s25 =	smov.u32 s26  }
0x44: {  	v0 =	vld [tilespmem:s25+$0x2920]  }
0x45: {  	v3 =	vmul.f32 v3, v7;
	v6 =	vld [tilespmem:s25+$0x130];
	[tilespmem:s25+$0x5170] =	vst v1  }
0x46: {  	v1 =	vld [tilespmem:s25+$0x2930]  }
0x47: {  	[tilespmem:s25+$0x5100] =	vst v3;
	v2 =	vmul.f32 v2, v5;
	v5 =	vld [tilespmem:s25+$0x140]  }
0x48: {  	v7 =	vld [tilespmem:s25+$0x2940]  }
.Ltmp0:
0x49: {  	[tilespmem:s25+$0x5110] =	vst v2;
	v0 =	vmul.f32 v0, v4;
	v2 =	vld [tilespmem:s25+$0x150];
	(pc) =	sbr.rel @p0 .LBB2_3-.Ltmp0, $4  }
0x4a: {  	v3 =	vld [tilespmem:s25+$0x2950]  }
0x4b: {  	[tilespmem:s25+$0x5120] =	vst v0;
	v6 =	vmul.f32 v1, v6;
	v0 =	vld [tilespmem:s25+$0x160]  }
0x4c: {  	s26 =	sshra.s32 s28, $0x2;
	v4 =	vld [tilespmem:s25+$0x2960]  }
0x4d: {  	s28 =	sadd.s32 $0x200, s28;
	v1 =	vld [tilespmem:s26+$0x170];
	[tilespmem:s25+$0x5130] =	vst v6;
	v5 =	vmul.f32 v7, v5  }
0x4e: {  	v6 =	vld [tilespmem:s26+$0x2970]  }
0x4f: {  	v7 =	vld [tilespmem:s26+$0x100];
	[tilespmem:s25+$0x5140] =	vst v5;
	v2 =	vmul.f32 v3, v2  }
0x50: {  	v51 =	vld [tilespmem:s26+$0x2900]  }
0x51: {  	v5 =	vld [tilespmem:s26+$0x110];
	[tilespmem:s25+$0x5150] =	vst v2;
	v0 =	vmul.f32 v4, v0  }
0x52: {  	v2 =	vld [tilespmem:s26+$0x2910]  }
0x53: {  	v52 =	vld [tilespmem:s26+$0x120];
	[tilespmem:s25+$0x5160] =	vst v0  }
0x54: {  	v54 =	vld [tilespmem:s26+$0x2920]  }
0x55: {  	v55 =	vld [tilespmem:s26+$0x130]  }
0x56: {  	v56 =	vld [tilespmem:s26+$0x2930]  }
0x57: {  	v57 =	vld [tilespmem:s26+$0x140]  }
0x58: {  	v58 =	vld [tilespmem:s26+$0x2940]  }
0x59: {  	v59 =	vld [tilespmem:s26+$0x150]  }
0x5a: {  	v53 =	vmul.f32 v6, v1;
	v60 =	vld [tilespmem:s26+$0x2950]  }
0x5b: {  	v61 =	vld [tilespmem:s26+$0x160];
	v3 =	vmul.f32 v51, v7  }
0x5c: {  	v62 =	vld [tilespmem:s26+$0x2960];
	[tilespmem:s26+$0x5170] =	vst v53;
	v2 =	vmul.f32 v2, v5  }
0x5d: {  	[tilespmem:s26+$0x5100] =	vst v3;
	v1 =	vmul.f32 v54, v52  }
0x5e: {  	[tilespmem:s26+$0x5110] =	vst v2;
	v0 =	vmul.f32 v56, v55  }
0x5f: {  	v3 =	vmul.f32 v58, v57;
	[tilespmem:s26+$0x5120] =	vst v1  }
0x60: {  	v63 =	vmul.f32 v60, v59;
	[tilespmem:s26+$0x5130] =	vst v0  }
0x61: {  	s24 =	sadd.s32 $0x1, s24;
	[tilespmem:s26+$0x5140] =	vst v3;
	v1 =	vmul.f32 v62, v61  }
0x62: {  	p0 =	sne.s32 s24, $0xFA;
	[tilespmem:s26+$0x5150] =	vst v63  }
.Ltmp1:
0x63: {  	[tilespmem:s26+$0x5160] =	vst v1;
	(pc) =	sbr.rel @p0 .LBB2_2-.Ltmp1, $4  }
0x64: {  	[spmem:s5] =	stream.indirect.scatter.add.f32 [tilespmem:s23], [sflag:$0x2], $0x80, s18, s20, $0xb8;
	[tilespmem:$0x1B900] =	vst v63  }
0x65: {  	_ =	swait.ge [sflag:s17], $0x2800  }
0x66: {  	[sflag:s17] =	ssyncset.done $0x0  }
0x67: {  	[sflag:s17] =	ssyncadd.s32 $0xFFFFD800  }
0x68: {  	[bflag:$0x0] =	sbarrier.arrive $0xFFFF  }
0x69: {  	[hbm:s12], [sflag:s9] =	dma.local [spmem:s16], $0x2800  }
0x6a: {  	_ =	swait.ge [sflag:s17], $0x2800  }
0x6b: {  	[sflag:s17] =	ssyncset.done $0x0  }
0x6c: {  	[sflag:s17] =	ssyncadd.s32 $0xFFFFD800  }
0x6d: {  	[bflag:$0x0] =	sbarrier.arrive $0xFFFF  }
0x6e: {  	[spmem:s16], [sflag:s9] =	dma.local [hbm:s4], $0x2800  }
0x6f: {  	_ =	swait.ge [sflag:s17], $0x2800  }
0x70: {  	[sflag:s17] =	ssyncset.done $0x0  }
0x71: {  	[sflag:s17] =	ssyncadd.s32 $0xFFFFD800  }
0x72: {  	s24 =	simm.s32 $0x0;
	s25 =	simm.s32 $0x0;
	[bflag:$0x0] =	sbarrier.arrive $0xFFFF  }
.LBB2_6:
0x73: {  	s26 =	smul.u32 $0x50, s25;
	_ =	sdelay $0x1  }
0x74: {  	s26 =	sadd.s32 s10, s26  }
0x75: {  	s28 =	sshrl.u32 s26, $0x3  }
0x76: {  	s29 =	sadd.s32 s2, s28  }
0x77: {  	[tilespmem:s24], [sflag:$0x2] =	stream.linear.gather [hbm4b:s29+s24], $0x50, $0x38;
	[tilespmem:$0x1B900] =	vst v63  }
0x78: {  	_ =	swait.ge [sflag:s17], $0x50  }
0x79: {  	[sflag:s17] =	ssyncset.done $0x0  }
0x7a: {  	s28 =	sadd.s32 s3, s28;
	[sflag:s17] =	ssyncadd.s32 $0xFFFFFFB0  }
0x7b: {  	[tilespmem:s18], [sflag:$0x2] =	stream.linear.gather [hbm4b:s28+s24], $0x50, $0x38;
	[tilespmem:$0x1B900] =	vst v63  }
0x7c: {  	s26 =	sadd.s32 s13, s26;
	_ =	swait.ge [sflag:s17], $0x50  }
0x7d: {  	s26 =	sshll.u32 s26, $0x4;
	[sflag:s17] =	ssyncset.done $0x0  }
0x7e: {  	s26 =	sadd.s32 s8, s26;
	[sflag:s17] =	ssyncadd.s32 $0xFFFFFFB0  }
0x7f: {  	[tilespmem:s19], [sflag:$0x2] =	stream.linear.gather [hbm4b:s26+s24], $0x2800, $0x38;
	[tilespmem:$0x1B900] =	vst v63  }
0x80: {  	_ =	swait.ge [sflag:s17], $0x2800  }
0x81: {  	[sflag:s17] =	ssyncset.done $0x0  }
0x82: {  	[sflag:s17] =	ssyncadd.s32 $0xFFFFD800  }
0x83: {  	[tilespmem:s21], [sflag:$0x1] =	stream.indirect.gather [hbm4b:s1+s20], $0x80, s24, s20, $0xb8;
	[tilespmem:$0x1B900] =	vst v63  }
0x84: {  	_ =	swait.ge [sflag:s22], $0x2800  }
0x85: {  	[sflag:s22] =	ssyncset.done $0x0  }
0x86: {  	s26 =	simm.s32 $0x0;
	[sflag:s22] =	ssyncadd.s32 $0xFFFFD800  }
0x87: {  	v0 =	vld [tilespmem:s26+$0x170]  }
0x88: {  	v1 =	vld [tilespmem:s26+$0x2970]  }
0x89: {  	v2 =	vld [tilespmem:s26+$0x100]  }
0x8a: {  	v3 =	vld [tilespmem:s26+$0x2900]  }
0x8b: {  	v4 =	vld [tilespmem:s26+$0x110]  }
0x8c: {  	v5 =	vld [tilespmem:s26+$0x2910]  }
0x8d: {  	v6 =	vld [tilespmem:s26+$0x120]  }
0x8e: {  	v7 =	vld [tilespmem:s26+$0x130]  }
0x8f: {  	v0 =	vmul.f32 v1, v0;
	v1 =	vld [tilespmem:s26+$0x2920]  }
0x90: {  	v8 =	vld [tilespmem:s26+$0x2930]  }
0x91: {  	v9 =	vld [tilespmem:s26+$0x2940];
	v2 =	vmul.f32 v3, v2  }
0x92: {  	[tilespmem:s26+$0x5170] =	vst v0;
	v0 =	vmul.f32 v5, v4;
	v5 =	vld [tilespmem:s26+$0x140]  }
0x93: {  	v3 =	vld [tilespmem:s26+$0x2950];
	[tilespmem:s26+$0x5100] =	vst v2  }
0x94: {  	v2 =	vld [tilespmem:s26+$0x150];
	[tilespmem:s26+$0x5110] =	vst v0;
	v0 =	vmul.f32 v1, v6  }
0x95: {  	v4 =	vld [tilespmem:s26+$0x2960];
	v6 =	vmul.f32 v8, v7  }
0x96: {  	s28 =	simm.s32 $0x80;
	[tilespmem:s26+$0x5120] =	vst v0;
	v0 =	vld [tilespmem:s26+$0x160]  }
0x97: {  	s29 =	simm.s32 $0x400;
	v5 =	vmul.f32 v9, v5;
	v1 =	vld [tilespmem:s28+$0x170];
	[tilespmem:s26+$0x5130] =	vst v6  }
.LBB2_7:
0x98: {  	p0 =	sne.s32 s29, $0x9E00;
	v6 =	vld [tilespmem:s28+$0x2970]  }
0x99: {  	v7 =	vld [tilespmem:s28+$0x100];
	[tilespmem:s26+$0x5140] =	vst v5;
	v2 =	vmul.f32 v3, v2  }
0x9a: {  	v3 =	vld [tilespmem:s28+$0x2900]  }
0x9b: {  	v5 =	vld [tilespmem:s28+$0x110];
	[tilespmem:s26+$0x5150] =	vst v2;
	v0 =	vmul.f32 v4, v0  }
0x9c: {  	v2 =	vld [tilespmem:s28+$0x2910]  }
0x9d: {  	v4 =	vld [tilespmem:s28+$0x120];
	v1 =	vmul.f32 v6, v1;
	[tilespmem:s26+$0x5160] =	vst v0;
	s26 =	smov.u32 s28  }
0x9e: {  	v0 =	vld [tilespmem:s26+$0x2920]  }
0x9f: {  	v3 =	vmul.f32 v3, v7;
	v6 =	vld [tilespmem:s26+$0x130];
	[tilespmem:s26+$0x5170] =	vst v1  }
0xa0: {  	v1 =	vld [tilespmem:s26+$0x2930]  }
0xa1: {  	[tilespmem:s26+$0x5100] =	vst v3;
	v2 =	vmul.f32 v2, v5;
	v5 =	vld [tilespmem:s26+$0x140]  }
0xa2: {  	v7 =	vld [tilespmem:s26+$0x2940]  }
.Ltmp2:
0xa3: {  	[tilespmem:s26+$0x5110] =	vst v2;
	v0 =	vmul.f32 v0, v4;
	v2 =	vld [tilespmem:s26+$0x150];
	(pc) =	sbr.rel @p0 .LBB2_7-.Ltmp2, $4  }
0xa4: {  	v3 =	vld [tilespmem:s26+$0x2950]  }
0xa5: {  	[tilespmem:s26+$0x5120] =	vst v0;
	v6 =	vmul.f32 v1, v6;
	v0 =	vld [tilespmem:s26+$0x160]  }
0xa6: {  	s28 =	sshra.s32 s29, $0x2;
	v4 =	vld [tilespmem:s26+$0x2960]  }
0xa7: {  	s29 =	sadd.s32 $0x200, s29;
	v1 =	vld [tilespmem:s28+$0x170];
	[tilespmem:s26+$0x5130] =	vst v6;
	v5 =	vmul.f32 v7, v5  }
0xa8: {  	v6 =	vld [tilespmem:s28+$0x2970]  }
0xa9: {  	v7 =	vld [tilespmem:s28+$0x100];
	[tilespmem:s26+$0x5140] =	vst v5;
	v2 =	vmul.f32 v3, v2  }
0xaa: {  	v51 =	vld [tilespmem:s28+$0x2900]  }
0xab: {  	v5 =	vld [tilespmem:s28+$0x110];
	[tilespmem:s26+$0x5150] =	vst v2;
	v0 =	vmul.f32 v4, v0  }
0xac: {  	v2 =	vld [tilespmem:s28+$0x2910]  }
0xad: {  	v52 =	vld [tilespmem:s28+$0x120];
	[tilespmem:s26+$0x5160] =	vst v0  }
0xae: {  	v54 =	vld [tilespmem:s28+$0x2920]  }
0xaf: {  	v55 =	vld [tilespmem:s28+$0x130]  }
0xb0: {  	v56 =	vld [tilespmem:s28+$0x2930]  }
0xb1: {  	v57 =	vld [tilespmem:s28+$0x140]  }
0xb2: {  	v58 =	vld [tilespmem:s28+$0x2940]  }
0xb3: {  	v59 =	vld [tilespmem:s28+$0x150]  }
0xb4: {  	v53 =	vmul.f32 v6, v1;
	v60 =	vld [tilespmem:s28+$0x2950]  }
0xb5: {  	v61 =	vld [tilespmem:s28+$0x160];
	v3 =	vmul.f32 v51, v7  }
0xb6: {  	v62 =	vld [tilespmem:s28+$0x2960];
	[tilespmem:s28+$0x5170] =	vst v53;
	v2 =	vmul.f32 v2, v5  }
0xb7: {  	[tilespmem:s28+$0x5100] =	vst v3;
	v1 =	vmul.f32 v54, v52  }
0xb8: {  	[tilespmem:s28+$0x5110] =	vst v2;
	v0 =	vmul.f32 v56, v55  }
0xb9: {  	v3 =	vmul.f32 v58, v57;
	[tilespmem:s28+$0x5120] =	vst v1  }
0xba: {  	v63 =	vmul.f32 v60, v59;
	[tilespmem:s28+$0x5130] =	vst v0  }
0xbb: {  	s25 =	sadd.s32 $0x1, s25;
	[tilespmem:s28+$0x5140] =	vst v3;
	v1 =	vmul.f32 v62, v61  }
0xbc: {  	p0 =	sne.s32 s25, $0xFA;
	[tilespmem:s28+$0x5150] =	vst v63  }
.Ltmp3:
0xbd: {  	[tilespmem:s28+$0x5160] =	vst v1;
	(pc) =	sbr.rel @p0 .LBB2_6-.Ltmp3, $4  }
0xbe: {  	[spmem:s5] =	stream.indirect.scatter.add.f32 [tilespmem:s23], [sflag:$0x2], $0x80, s18, s20, $0xb8;
	[tilespmem:$0x1B900] =	vst v63  }
0xbf: {  	_ =	swait.ge [sflag:s17], $0x2800  }
0xc0: {  	[sflag:s17] =	ssyncset.done $0x0  }
0xc1: {  	[sflag:s17] =	ssyncadd.s32 $0xFFFFD800  }
0xc2: {  	s7 =	sadd.s32 $0x1, s7  }
0xc3: {  	p0 =	sne.s32 s7, s15  }
.Ltmp4:
0xc4: {  	[bflag:$0x0] =	sbarrier.arrive $0xFFFF;
	(pc) =	sbr.rel @p0 .LBB2_1-.Ltmp4, $4  }
0xc5: {  	[hbm:s14], [sflag:s9] =	dma.local [spmem:s16], $0x2800  }
0xc6: {  	_ =	swait.ge [sflag:s17], $0x2800  }
0xc7: {  	[sflag:s17] =	ssyncset.done $0x0  }
0xc8: {  	[sflag:s17] =	ssyncadd.s32 $0xFFFFD800  }
0xc9: {  	_ =	sfence.sel $0x180000  }
0xca: {  	[bflag:$0x0] =	sbarrier.arrive $0xFFFF  }
0xcb: {  	p0 =	sne.s32 s6, $0x0;
	_ =	strace $0x90000047  }
0xcc: {  	s0 =	sadd.s32 @!p0 $0x100000, s0;
	[bflag:$0x2] =	sbarrier.arrive $0xFFFF  }
0xcd: {  	[sflag:s0] =	ssyncadd.tile.s32 @!p0 $0x1;
	_ =	shalt  }
.Lfunc_end2:
_tile_overlayer_lowered:
.L_overlay_start_2:
0xce: {  	(tag) =	ssettag $0x2  }
0xcf: {  	s0 =	rddreg [dreg:$0x0];
	s2 =	stileid.u32  }
0xd0: {  	s1 =	rddreg [dreg:$0x1];
	p0 =	sne.s32 s2, $0x0  }
0xd1: {  	s3 =	rddreg [dreg:$0x2];
	[bflag:$0x3] =	sbarrier.arrive $0xFFFF;
	s2 =	simm.s32 @!p0 $0x1C02  }
0xd2: {  	[timem:s3], [sflag:s2] =	dma.local @!p0 [hbm:s0], s1  }
0xd3: {  	s0 =	simm.s32 @!p0 $0x2  }
0xd4: {  	_ =	swait.ge @!p0 [sflag:s0], s1  }
0xd5: {  	s1 =	ssub.s32 @!p0 $0x0, s1;
	[sflag:s0] =	ssyncset.done @!p0 $0x0  }
0xd6: {  	[sflag:s0] =	ssyncadd.s32 @!p0 s1  }
0xd7: {  	[bflag:$0x3] =	sbarrier.arrive $0xFFFF  }
0xd8: {  	_ =	shalt  }

</sc_bundles>
